<compile_context>
chip_gen: v7x
topology: tpu7x:2x2x1
jax: 0.10.2.dev20260603
libtpu: 0.0.44.dev20260713+nightly
codegen_flags: <defaults>
</compile_context>

<pallas_src>
import functools

import jax
import jax.numpy as jnp
import numpy as np
from jax import lax
from jax.experimental import pallas as pl
from jax.experimental.pallas import tpu as pltpu
from jax.experimental.pallas import tpu_sc as plsc

_F32 = jnp.float32
_NC, _NS = 2, 16
_NW = _NC * _NS
_NPAD = 10240
_CH = 4000



def _sc_gather16(flat_idx, table):
    M = flat_idx.shape[0]
    per_w = M // _NW
    steps = per_w // _CH
    mesh = plsc.VectorSubcoreMesh(core_axis_name="c", subcore_axis_name="s")

    @functools.partial(
        pl.kernel, mesh=mesh,
        out_type=jax.ShapeDtypeStruct((M, 16), _F32),
        scratch_types=[
            pltpu.VMEM((_CH,), jnp.int32),
            pltpu.VMEM((_CH, 16), _F32),
            pltpu.SemaphoreType.DMA,
        ],
        compiler_params=pltpu.CompilerParams(use_tc_tiling_on_sc=False),
    )
    def k(idx_hbm, table_hbm, out_hbm, idx_v, rows_v, sem):
        wid = lax.axis_index("s") * _NC + lax.axis_index("c")
        base = wid * per_w

        def body(i, carry):
            off = base + i * _CH
            pltpu.sync_copy(idx_hbm.at[pl.ds(off, _CH)], idx_v)
            pltpu.async_copy(table_hbm.at[idx_v], rows_v, sem).wait()
            pltpu.sync_copy(rows_v, out_hbm.at[pl.ds(off, _CH)])
            return carry

        lax.fori_loop(0, steps, body, 0)

    return k(flat_idx, table)


def _sc_scatter_add16(payload, flat_idx, zeros_tbl):
    E = payload.shape[0]
    per_w = E // _NW
    steps = per_w // _CH
    rpt = _NPAD // _NS
    mesh = plsc.VectorSubcoreMesh(core_axis_name="c", subcore_axis_name="s")

    @functools.partial(
        pl.kernel, mesh=mesh,
        out_type=jax.ShapeDtypeStruct((_NC * _NPAD, 16), _F32),
        scratch_types=[
            pltpu.VMEM((_CH,), jnp.int32),
            pltpu.VMEM((_CH, 16), _F32),
            pltpu.VMEM_SHARED((_NPAD, 16), _F32),
        ],
        compiler_params=pltpu.CompilerParams(use_tc_tiling_on_sc=False),
    )
    def k(pay_hbm, idx_hbm, zeros_hbm, out_hbm, idx_v, rows_v, acc_sh):
        cid = lax.axis_index("c")
        sid = lax.axis_index("s")
        wid = sid * _NC + cid
        r0 = sid * rpt
        pltpu.sync_copy(zeros_hbm.at[pl.ds(r0, rpt)], acc_sh.at[pl.ds(r0, rpt)])
        plsc.subcore_barrier()
        base = wid * per_w

        def body(i, carry):
            off = base + i * _CH
            pltpu.sync_copy(idx_hbm.at[pl.ds(E + off, _CH)], idx_v)
            pltpu.sync_copy(pay_hbm.at[pl.ds(off, _CH)], rows_v)
            pltpu.sync_copy(rows_v, acc_sh.at[idx_v], add=True)
            return carry

        lax.fori_loop(0, steps, body, 0)
        plsc.subcore_barrier()
        pltpu.sync_copy(acc_sh.at[pl.ds(r0, rpt)],
                        out_hbm.at[pl.ds(cid * _NPAD + r0, rpt)])

    return k(payload, flat_idx, zeros_tbl)



def _tc_node0(fc_xp, sc_xp, w_fc, w_sc, S0, S1):
    n = fc_xp.shape[0]

    def body(fx, sx, wf, ws, s0, s1, out):
        h_fc = jnp.maximum(fx[...] @ wf[...], 0.0)
        h_sc = jnp.maximum(sx[...] @ ws[...], 0.0)
        out[...] = h_fc @ s0[...] + h_sc @ s1[...]

    return pl.pallas_call(
        body,
        out_shape=jax.ShapeDtypeStruct((n, 16), _F32),
    )(fc_xp, sc_xp, w_fc, w_sc, S0, S1)


def _tc_edgeA(Gp, fc_ea, sc_ea, w, blk):
    R = Gp.shape[0] // 2
    grid = R // blk

    def body(g0, g1, ea_f, ea_s, sfc, wsck, k1f, u8, v8, febf, ew1f,
             k1s, fes, febs, ew1s, c0, c1, p2, p4, p12, out):
        relu = lambda x: jnp.maximum(x, 0.0)
        f3 = ea_f[...].reshape(blk, 8, 1)
        s3 = ea_s[...].reshape(blk, 8, 3)
        t32 = jnp.concatenate(
            [jnp.broadcast_to(f3, (blk, 8, 8)),
             jnp.broadcast_to(s3[:, :, 0:1], (blk, 8, 8)),
             jnp.broadcast_to(s3[:, :, 1:2], (blk, 8, 8)),
             jnp.broadcast_to(s3[:, :, 2:3], (blk, 8, 8))], axis=2)
        ey = jnp.eye(8, dtype=jnp.float32)
        msk = jnp.concatenate([ey, ey, ey, ey], axis=1)[None]
        x32 = jnp.sum(t32 * msk, axis=1)
        a_col = x32 @ sfc[...]
        ap = relu(a_col)
        am = relu(-a_col)
        hsum = g0[...] + g1[...]
        e2f = relu(hsum @ k1f[...] + ap @ u8[...] + am @ v8[...] + febf[...])
        e1bf = relu(e2f @ ew1f[...])
        e1as = relu(x32 @ wsck[...])
        e2s = relu(hsum @ k1s[...] + e1as @ fes[...] + febs[...])
        e1bs = relu(e2s @ ew1s[...])
        out[...] = (ap @ c0[...] + am @ c1[...] + e1bf @ p2[...]
                    + e1as @ p4[...] + e1bs @ p12[...])

    full = lambda shape: pl.BlockSpec(shape, lambda i: (0, 0))
    return pl.pallas_call(
        body,
        grid=(grid,),
        in_specs=[
            pl.BlockSpec((blk, 128), lambda i: (i, 0)),
            pl.BlockSpec((blk, 128), lambda i: (i + grid, 0)),
            pl.BlockSpec((blk * 8, 1), lambda i: (i, 0)),
            pl.BlockSpec((blk * 8, 3), lambda i: (i, 0)),
            full((32, 8)), full((32, 64)),
            full((128, 128)), full((8, 128)), full((8, 128)), full((1, 128)),
            full((128, 16)),
            full((128, 128)), full((64, 128)),
            full((1, 128)), full((128, 16)), full((8, 128)), full((8, 128)),
            full((16, 128)), full((64, 128)), full((16, 128)),
        ],
        out_specs=pl.BlockSpec((blk, 128), lambda i: (i, 0)),
        out_shape=jax.ShapeDtypeStruct((R, 128), _F32),
        compiler_params=pltpu.CompilerParams(
            dimension_semantics=("arbitrary",)),
    )(Gp, Gp, fc_ea, sc_ea, w["S_fc"], w["W_sce_k"],
      w["K1_fc_k"], w["U8"], w["V8"], w["feb_fc_t"],
      w["ew1_fc_k"],
      w["K1_sc_k"], w["few_e_sc_k"],
      w["feb_sc_t"], w["ew1_sc_k"], w["C0_k"], w["C1_k"], w["P2_k"],
      w["P4_k"], w["P12_k"])


def _tc_node1(partials, hc, w):
    n = _NPAD

    def body(p0, p1, h, m1f, m2f, fnbf, g0f, b0f, nw1f, m3f, fw1bf, fn1bf,
             g1f, b1f, m1s, m2s, fnbs, g0s, b0s, nw1s, m3s, fw1bs, fn1bs,
             g1s, b1s, q0, q1, out):
        relu = lambda x: jnp.maximum(x, 0.0)
        aggr = p0[...] + p1[...]
        hc_ = h[...]
        x1f = relu(aggr @ m1f[...] + hc_ @ m2f[...] + fnbf[...]) * g0f[...] + b0f[...]
        h1f = relu(x1f @ nw1f[...])
        zf = relu(aggr @ m3f[...] + h1f @ fw1bf[...] + fn1bf[...]) * g1f[...] + b1f[...]
        x1s = relu(aggr @ m1s[...] + hc_ @ m2s[...] + fnbs[...]) * g0s[...] + b0s[...]
        h1s = relu(x1s @ nw1s[...])
        zs = relu(aggr @ m3s[...] + h1s @ fw1bs[...] + fn1bs[...]) * g1s[...] + b1s[...]
        out[...] = zf @ q0[...] + zs @ q1[...]

    full = lambda shape: pl.BlockSpec(shape, lambda i: tuple(0 for _ in shape))
    return pl.pallas_call(
        body,
        grid=(1,),
        in_specs=[
            pl.BlockSpec((n, 16), lambda i: (0, 0)),
            pl.BlockSpec((n, 16), lambda i: (1, 0)),
            pl.BlockSpec((n, 16), lambda i: (0, 0)),
            full((16, 16)), full((16, 16)), full((1, 16)), full((1, 16)),
            full((1, 16)), full((16, 2)), full((16, 4)), full((2, 4)),
            full((1, 4)), full((1, 4)), full((1, 4)),
            full((16, 16)), full((16, 16)), full((1, 16)), full((1, 16)),
            full((1, 16)), full((16, 2)), full((16, 4)), full((2, 4)),
            full((1, 4)), full((1, 4)), full((1, 4)),
            full((4, 16)), full((4, 16)),
        ],
        out_specs=pl.BlockSpec((n, 16), lambda i: (0, 0)),
        out_shape=jax.ShapeDtypeStruct((n, 16), _F32),
    )(partials, partials, hc,
      w["M1_fc"], w["M2_fc"], w["fnb_fc"], w["g0_fc"], w["b0_fc"],
      w["nw1_fc"], w["M3_fc"], w["fn1w_b_fc"], w["fn1b_fc"], w["g1_fc"],
      w["b1_fc"],
      w["M1_sc"], w["M2_sc"], w["fnb_sc"], w["g0_sc"], w["b0_sc"],
      w["nw1_sc"], w["M3_sc"], w["fn1w_b_sc"], w["fn1b_sc"], w["g1_sc"],
      w["b1_sc"], w["Q0"], w["Q1"])


def _tc_decoder(Zp, w, blk):
    R2 = Zp.shape[0]
    R = R2 // 2
    grid = R // blk

    def body(z0, z1, w1, b1, w2, b2, w3, b3, w4, b4, out):
        relu = lambda x: jnp.maximum(x, 0.0)
        h = z0[...] * z1[...]
        l1 = relu(h @ w1[...] + b1[...])
        l2 = relu(l1 @ w2[...] + b2[...])
        l3 = relu(l2 @ w3[...] + b3[...])
        l4 = l3 @ w4[...] + b4[...]
        out[...] = 1.0 / (1.0 + jnp.exp(-l4))

    full = lambda shape: pl.BlockSpec(shape, lambda i: (0, 0))
    return pl.pallas_call(
        body,
        grid=(grid,),
        in_specs=[
            pl.BlockSpec((blk, 128), lambda i: (i, 0)),
            pl.BlockSpec((blk, 128), lambda i: (i + grid, 0)),
            full((128, 512)), full((1, 512)), full((512, 1024)),
            full((1, 1024)), full((1024, 256)), full((1, 256)),
            full((256, 8)), full((1, 8)),
        ],
        out_specs=pl.BlockSpec((blk, 8), lambda i: (i, 0)),
        out_shape=jax.ShapeDtypeStruct((R, 8), _F32),
        compiler_params=pltpu.CompilerParams(
            dimension_semantics=("arbitrary",)),
    )(Zp, Zp, w["W1k"], w["db1_t"], w["W2k"], w["db2_t"], w["W3k"],
      w["db3_t"], w["W4k"], w["db4_t"])



def _fold_weights(p):
    z8 = lambda *s: jnp.zeros(s, _F32)
    bn_s = np.float32(1.0 / np.sqrt(1.0 + 1e-5))
    eye16 = jnp.eye(16, dtype=_F32)
    w = {}
    I8 = jnp.eye(8, dtype=_F32)
    kr = lambda m: jnp.kron(I8, m)
    w_fce = p["fc0_edge_w"][0]
    few_fc = p["fc0_fe_w"]
    u_fc = (jnp.maximum(w_fce, 0) @ few_fc[8:])[None]
    v_fc = (jnp.maximum(-w_fce, 0) @ few_fc[8:])[None]
    w["U8"] = kr(u_fc)
    w["V8"] = kr(v_fc)
    w["K1_fc_k"] = kr(jnp.concatenate([few_fc[:8], z8(8, 16)], 0))
    w["feb_fc_t"] = jnp.tile(p["fc0_fe_b"][None], (1, 8))
    w["ew1_fc_k"] = kr(p["fc1_edge_w"])
    few_sc = p["sc0_fe_w"]
    w["K1_sc_k"] = kr(jnp.concatenate([z8(8, 16), few_sc[:8]], 0))
    w["few_e_sc_k"] = kr(few_sc[8:])
    w["feb_sc_t"] = jnp.tile(p["sc0_fe_b"][None], (1, 8))
    w["ew1_sc_k"] = kr(p["sc1_edge_w"])
    w["S_fc"] = jnp.concatenate([I8, jnp.zeros((24, 8), _F32)], 0)
    w["W_sce_k"] = jnp.concatenate(
        [jnp.zeros((8, 64), _F32)]
        + [kr(p["sc0_edge_w"][c:c + 1]) for c in range(3)], 0)
    w["C0_k"] = kr(eye16[0:1])
    w["C1_k"] = kr(eye16[1:2])
    w["P2_k"] = kr(eye16[2:4])
    w["P4_k"] = kr(eye16[4:12])
    w["P12_k"] = kr(eye16[12:14])
    Wrec_fc = z8(16, 8).at[0].set(jnp.maximum(w_fce, 0)).at[1].set(
        jnp.maximum(-w_fce, 0))
    w["M1_fc"] = Wrec_fc @ p["fc0_fn_w"][:8]
    w["M2_fc"] = jnp.concatenate([p["fc0_fn_w"][8:], z8(8, 16)], 0)
    w["fnb_fc"] = p["fc0_fn_b"][None]
    w["g0_fc"] = (p["fc_bn0_g"] * bn_s)[None]
    w["b0_fc"] = p["fc_bn0_b"][None]
    w["nw1_fc"] = p["fc1_node_w"]
    R24 = z8(16, 2).at[2, 0].set(1.0).at[3, 1].set(1.0)
    w["M3_fc"] = R24 @ p["fc1_fn_w"][:2]
    w["fn1w_b_fc"] = p["fc1_fn_w"][2:]
    w["fn1b_fc"] = p["fc1_fn_b"][None]
    w["g1_fc"] = (p["fc_bn1_g"] * bn_s)[None]
    w["b1_fc"] = p["fc_bn1_b"][None]
    R4_12 = z8(16, 8).at[4:12].set(jnp.eye(8, dtype=_F32))
    w["M1_sc"] = R4_12 @ p["sc0_fn_w"][:8]
    w["M2_sc"] = jnp.concatenate([z8(8, 16), p["sc0_fn_w"][8:]], 0)
    w["fnb_sc"] = p["sc0_fn_b"][None]
    w["g0_sc"] = (p["sc_bn0_g"] * bn_s)[None]
    w["b0_sc"] = p["sc_bn0_b"][None]
    w["nw1_sc"] = p["sc1_node_w"]
    R12_14 = z8(16, 2).at[12, 0].set(1.0).at[13, 1].set(1.0)
    w["M3_sc"] = R12_14 @ p["sc1_fn_w"][:2]
    w["fn1w_b_sc"] = p["sc1_fn_w"][2:]
    w["fn1b_sc"] = p["sc1_fn_b"][None]
    w["g1_sc"] = (p["sc_bn1_g"] * bn_s)[None]
    w["b1_sc"] = p["sc_bn1_b"][None]
    w["Q0"] = jnp.concatenate([jnp.eye(4, dtype=_F32), z8(4, 12)], 1)
    w["Q1"] = jnp.concatenate([z8(4, 4), jnp.eye(4, dtype=_F32), z8(4, 8)], 1)
    w["S0"] = jnp.concatenate([jnp.eye(8, dtype=_F32), z8(8, 8)], 1)
    w["S1"] = jnp.concatenate([z8(8, 8), jnp.eye(8, dtype=_F32)], 1)
    w["W1k"] = kr(jnp.concatenate([p["dec_w1"], z8(8, 64)], 0))
    w["db1_t"] = jnp.tile(p["dec_b1"][None], (1, 8))
    w["W2k"] = kr(p["dec_w2"])
    w["db2_t"] = jnp.tile(p["dec_b2"][None], (1, 8))
    w["W3k"] = kr(p["dec_w3"])
    w["db3_t"] = jnp.tile(p["dec_b3"][None], (1, 8))
    w["W4k"] = kr(p["dec_w4"])
    w["db4_t"] = jnp.tile(p["dec_b4"][None], (1, 8))
    return w


def kernel(fc_x, sc_x, fc_edge_attr, sc_edge_attr, edge_index, params):
    n = fc_x.shape[0]
    w = _fold_weights(params)
    fc_xp = jnp.pad(fc_x, ((0, _NPAD - n), (0, 0)))
    sc_xp = jnp.pad(sc_x, ((0, _NPAD - n), (0, 0)))
    flat_idx = edge_index.reshape(-1)
    zeros_tbl = jnp.zeros((_NPAD, 16), _F32)

    e = edge_index.shape[1]
    hc = _tc_node0(fc_xp, sc_xp, params["fc0_node_w"], params["sc0_node_w"],
                   w["S0"], w["S1"])
    G = _sc_gather16(flat_idx, hc)
    payload_p = _tc_edgeA(G.reshape(2 * e // 8, 128), fc_edge_attr,
                          sc_edge_attr, w, blk=1000)
    partials = _sc_scatter_add16(payload_p.reshape(e, 16), flat_idx, zeros_tbl)
    zpad = _tc_node1(partials, hc, w)
    h = e // 2
    idx_b0 = jnp.concatenate([flat_idx[:h], flat_idx[e:e + h]])
    idx_b1 = jnp.concatenate([flat_idx[h:e], flat_idx[e + h:]])
    Z0 = _sc_gather16(idx_b0, zpad)
    Z1 = _sc_gather16(idx_b1, zpad)
    o0 = _tc_decoder(Z0.reshape(e // 8, 128), w, blk=2000)
    o1 = _tc_decoder(Z1.reshape(e // 8, 128), w, blk=2000)
    return jnp.concatenate([o0, o1], 0).reshape(e, 1)

# --- scband reference (transcript-rebuilt; emitter-appended) ---
"""Pipeline reference for scband-mask-gae-stage1-25615184953521 (READ-ONLY COPY).

The authoritative reference and input builder live on the scoring server;
editing this copy changes nothing except your own understanding.
"""

import jax, jax.numpy as jnp
import numpy as np

_PARAM_SHAPES = {
    "fc0_node_w": (16, 8), "fc0_edge_w": (1, 8), "fc0_fn_w": (16, 16), "fc0_fn_b": (16,), "fc0_fe_w": (16, 16), "fc0_fe_b": (16,), "fc_bn0_g": (16,), "fc_bn0_b": (16,),
    "fc1_node_w": (16, 2), "fc1_edge_w": (16, 2), "fc1_fn_w": (4, 4), "fc1_fn_b": (4,), "fc1_fe_w": (4, 4), "fc1_fe_b": (4,), "fc_bn1_g": (4,), "fc_bn1_b": (4,),
    "sc0_node_w": (3, 8), "sc0_edge_w": (3, 8), "sc0_fn_w": (16, 16), "sc0_fn_b": (16,), "sc0_fe_w": (16, 16), "sc0_fe_b": (16,), "sc_bn0_g": (16,), "sc_bn0_b": (16,),
    "sc1_node_w": (16, 2), "sc1_edge_w": (16, 2), "sc1_fn_w": (4, 4), "sc1_fn_b": (4,), "sc1_fe_w": (4, 4), "sc1_fe_b": (4,), "sc_bn1_g": (4,), "sc_bn1_b": (4,),
    "dec_w1": (8, 64), "dec_b1": (64,), "dec_w2": (64, 128), "dec_b2": (128,), "dec_w3": (128, 32), "dec_b3": (32,), "dec_w4": (32, 1), "dec_b4": (1,),
}


def _make_params(key):
    params = {}
    for i, (name, shp) in enumerate(_PARAM_SHAPES.items()):
        k = jax.random.fold_in(key, 1000 + i)
        if name.endswith("_g"):
            params[name] = jnp.ones(shp, dtype=jnp.float32)
        elif name.endswith("_w"):
            params[name] = jax.random.normal(k, shp, dtype=jnp.float32) * 0.1
        else:
            params[name] = jnp.zeros(shp, dtype=jnp.float32)
    return params


def setup_inputs(seed: int = 0) -> dict:
    key = jax.random.key(seed)
    ks = jax.random.split(key, 8)
    N, E = 10000, 640000
    fc_x = jax.random.normal(ks[0], (N, 16), dtype=jnp.float32)
    sc_x = jax.random.normal(ks[1], (N, 3), dtype=jnp.float32)
    fc_edge_attr = jax.random.normal(ks[2], (E, 1), dtype=jnp.float32)
    sc_edge_attr = jax.random.normal(ks[3], (E, 3), dtype=jnp.float32)
    edge_index = jax.random.randint(ks[4], (2, E), 0, N, dtype=jnp.int32)
    params = _make_params(key)
    return {"fc_x": fc_x, "sc_x": sc_x, "fc_edge_attr": fc_edge_attr, "sc_edge_attr": sc_edge_attr, "edge_index": edge_index, "params": params}


def _conv(x, ea, ei, nw, ew, fnw, fnb, few, feb):
    # NodeEdgeInteraction_node (eval mode: dropout skipped, node_bias/edge_bias/edge_weight_lin unused in forward)
    h = jax.nn.relu(x @ nw)
    e1 = jax.nn.relu(ea @ ew)
    src, dst = ei[0], ei[1]
    # edge_updater: cat([h[src] + h[dst], e1])
    e2 = jnp.concatenate([h[src] + h[dst], e1], axis=-1)
    # propagate: message = edge features, aggr='sum' at dst; update: cat([aggr_out, h])
    aggr = jax.ops.segment_sum(e1, dst, num_segments=x.shape[0])
    n2 = jnp.concatenate([aggr, h], axis=-1)
    n2 = jax.nn.relu(n2 @ fnw + fnb)
    e2 = jax.nn.relu(e2 @ few + feb)
    return n2, e2


def _bn(x, g, b):
    # BatchNorm1d in eval mode with default running stats (mean=0, var=1)
    return x / jnp.sqrt(1.0 + 1e-5) * g + b


def _encoder(x, ea, ei, p, pre):
    x, ea = _conv(x, ea, ei, p[pre + "0_node_w"], p[pre + "0_edge_w"], p[pre + "0_fn_w"], p[pre + "0_fn_b"], p[pre + "0_fe_w"], p[pre + "0_fe_b"])
    x = _bn(x, p[pre + "_bn0_g"], p[pre + "_bn0_b"])
    x, ea = _conv(x, ea, ei, p[pre + "1_node_w"], p[pre + "1_edge_w"], p[pre + "1_fn_w"], p[pre + "1_fn_b"], p[pre + "1_fe_w"], p[pre + "1_fe_b"])
    x = _bn(x, p[pre + "_bn1_g"], p[pre + "_bn1_b"])
    return x


def reference(fc_x, sc_x, fc_edge_attr, sc_edge_attr, edge_index, params):
    z_fc = _encoder(fc_x, fc_edge_attr, edge_index, params, "fc")
    z_sc = _encoder(sc_x, sc_edge_attr, edge_index, params, "sc")
    z = jnp.concatenate([z_fc, z_sc], axis=-1)  # concat cross-fusion -> [N, 8]
    e0, e1 = edge_index[0], edge_index[1]
    h = z[e0] * z[e1]  # EdgeDecoder hadamard gather [E, 8]
    h = jax.nn.relu(h @ params["dec_w1"] + params["dec_b1"])
    h = jax.nn.relu(h @ params["dec_w2"] + params["dec_b2"])
    h = jax.nn.relu(h @ params["dec_w3"] + params["dec_b3"])
    h = h @ params["dec_w4"] + params["dec_b4"]
    return jax.nn.sigmoid(h)

if __name__ == "__main__":
    import jax
    _d = setup_inputs()
    print(jax.jit(kernel)(*tuple(_d.values())))

</pallas_src>

<mosaic_0001>
#map = affine_map<(d0, d1) -> (0)>
#map1 = affine_map<(d0, d1) -> (0, 0)>
module attributes {stable_mosaic.version = 14 : i64} {
  func.func @k(%arg0: i32, %arg1: i32, %arg2: memref<640000xi32, #tpu.memory_space<hbm>>, %arg3: memref<10240x16xf32, #tpu.memory_space<hbm>>, %arg4: memref<640000x16xf32, #tpu.memory_space<hbm>>, %arg5: memref<4000xi32, #tpu.memory_space<vmem>>, %arg6: memref<4000x16xf32, #tpu.memory_space<vmem>>, %arg7: memref<!tpu.dma_semaphore, #tpu.memory_space<semaphore_mem>>) attributes {dimension_semantics = [#tpu.dimension_semantics<core_parallel>, #tpu.dimension_semantics<subcore_parallel>], iteration_bounds = array<i64: 2, 16>, scalar_prefetch = 0 : i64, scratch_operands = 3 : i64, tpu.core_type = #tpu.core_type<sc_vector_subcore>, window_params = [{transform_indices = #map}, {transform_indices = #map1}, {transform_indices = #map1}]} {
    %mul3A = arith.constant 2 : i32
    %mul3A_0 = arith.muli %arg1, %mul3A : i32
    %add3A = arith.addi %mul3A_0, %arg0 : i32
    %mul3A_1 = arith.constant 20000 : i32
    %mul3A_2 = arith.muli %add3A, %mul3A_1 : i32
    %scan3A = arith.constant 0 : i32
    %scan3A_3 = arith.constant 0 : i32
    %scan3A_4 = arith.constant 5 : i32
    %scan3A_5 = arith.addi %scan3A_3, %scan3A_4 : i32
    %scan3A_6 = arith.constant 1 : i32
    scf.for %scan3A_8 = %scan3A_3 to %scan3A_5 step %scan3A_6  : i32 {
      %mul3A_9 = arith.constant 4000 : i32
      %mul3A_10 = arith.muli %scan3A_8, %mul3A_9 : i32
      %add3A_11 = arith.addi %mul3A_2, %mul3A_10 : i32
      "tpu.region"() ({
        %run_scoped3A = tpu.sem_alloc : memref<!tpu.dma_semaphore, #tpu.memory_space<semaphore_mem>>
        %dma_start3A_16 = tpu.memref_slice %arg2[%add3A_11] : memref<640000xi32, #tpu.memory_space<hbm>> -> memref<4000xi32, #tpu.memory_space<hbm>>
        %dma_start3A_17 = tpu.memref_slice %arg2[%add3A_11] : memref<640000xi32, #tpu.memory_space<hbm>> -> memref<4000xi32, #tpu.memory_space<hbm>>
        tpu.enqueue_dma source(%dma_start3A_17 : memref<4000xi32, #tpu.memory_space<hbm>>) target(%arg5 : memref<4000xi32, #tpu.memory_space<vmem>>) target_semaphore(%run_scoped3A : memref<!tpu.dma_semaphore, #tpu.memory_space<semaphore_mem>>)
        %dma_wait3A_18 = tpu.memref_slice %arg2[%add3A_11] : memref<640000xi32, #tpu.memory_space<hbm>> -> memref<4000xi32, #tpu.memory_space<hbm>>
        %dma_wait3A_19 = tpu.memref_slice %arg2[%add3A_11] : memref<640000xi32, #tpu.memory_space<hbm>> -> memref<4000xi32, #tpu.memory_space<hbm>>
        tpu.wait_dma2 semaphore(%run_scoped3A : memref<!tpu.dma_semaphore, #tpu.memory_space<semaphore_mem>>) src(%dma_wait3A_19 : memref<4000xi32, #tpu.memory_space<hbm>>) dst(%arg5 : memref<4000xi32, #tpu.memory_space<vmem>>)
        tpu.yield
      }) : () -> ()
      %dma_start3A = arith.constant 0 : i32
      %dma_start3A_12 = arith.constant 0 : i32
      %dma_start3A_13 = tpu.memref_slice %arg3[%dma_start3A, %dma_start3A_12] : memref<10240x16xf32, #tpu.memory_space<hbm>> -> memref<10240x16xf32, #tpu.memory_space<hbm>>
      tpu.enqueue_indirect_dma source(%dma_start3A_13 : memref<10240x16xf32, #tpu.memory_space<hbm>>) target(%arg6 : memref<4000x16xf32, #tpu.memory_space<vmem>>) offsets(%arg5 : memref<4000xi32, #tpu.memory_space<vmem>>) semaphore(%arg7 : memref<!tpu.dma_semaphore, #tpu.memory_space<semaphore_mem>>)
      %dma_wait3A = arith.constant 0 : i32
      %dma_wait3A_14 = arith.constant 0 : i32
      %dma_wait3A_15 = tpu.memref_slice %arg3[%dma_wait3A, %dma_wait3A_14] : memref<10240x16xf32, #tpu.memory_space<hbm>> -> memref<10240x16xf32, #tpu.memory_space<hbm>>
      tpu.wait_indirect_dma semaphore(%arg7 : memref<!tpu.dma_semaphore, #tpu.memory_space<semaphore_mem>>) src(%dma_wait3A_15 : memref<10240x16xf32, #tpu.memory_space<hbm>>) dst(%arg6 : memref<4000x16xf32, #tpu.memory_space<vmem>>)
      "tpu.region"() ({
        %run_scoped3A = tpu.sem_alloc : memref<!tpu.dma_semaphore, #tpu.memory_space<semaphore_mem>>
        %dma_start3A_16 = arith.constant 0 : i32
        %dma_start3A_17 = tpu.memref_slice %arg4[%add3A_11, %dma_start3A_16] : memref<640000x16xf32, #tpu.memory_space<hbm>> -> memref<4000x16xf32, #tpu.memory_space<hbm>>
        %dma_start3A_18 = arith.constant 0 : i32
        %dma_start3A_19 = tpu.memref_slice %arg4[%add3A_11, %dma_start3A_18] : memref<640000x16xf32, #tpu.memory_space<hbm>> -> memref<4000x16xf32, #tpu.memory_space<hbm>>
        tpu.enqueue_dma source(%arg6 : memref<4000x16xf32, #tpu.memory_space<vmem>>) target(%dma_start3A_19 : memref<4000x16xf32, #tpu.memory_space<hbm>>) target_semaphore(%run_scoped3A : memref<!tpu.dma_semaphore, #tpu.memory_space<semaphore_mem>>)
        %dma_wait3A_20 = arith.constant 0 : i32
        %dma_wait3A_21 = tpu.memref_slice %arg4[%add3A_11, %dma_wait3A_20] : memref<640000x16xf32, #tpu.memory_space<hbm>> -> memref<4000x16xf32, #tpu.memory_space<hbm>>
        %dma_wait3A_22 = arith.constant 0 : i32
        %dma_wait3A_23 = tpu.memref_slice %arg4[%add3A_11, %dma_wait3A_22] : memref<640000x16xf32, #tpu.memory_space<hbm>> -> memref<4000x16xf32, #tpu.memory_space<hbm>>
        tpu.wait_dma2 semaphore(%run_scoped3A : memref<!tpu.dma_semaphore, #tpu.memory_space<semaphore_mem>>) src(%arg6 : memref<4000x16xf32, #tpu.memory_space<vmem>>) dst(%dma_wait3A_23 : memref<4000x16xf32, #tpu.memory_space<hbm>>)
        tpu.yield
      }) : () -> ()
    }
    %scan3A_7 = arith.constant 5 : i32
    return
  }
}

#map = affine_map<(d0, d1) -> (0)>
#map1 = affine_map<(d0, d1) -> (0, 0)>
module attributes {stable_mosaic.version = 14 : i64} {
  func.func @k(%arg0: i32, %arg1: i32, %arg2: memref<1280000xi32, #tpu.memory_space<hbm>>, %arg3: memref<10240x16xf32, #tpu.memory_space<hbm>>, %arg4: memref<1280000x16xf32, #tpu.memory_space<hbm>>, %arg5: memref<4000xi32, #tpu.memory_space<vmem>>, %arg6: memref<4000x16xf32, #tpu.memory_space<vmem>>, %arg7: memref<!tpu.dma_semaphore, #tpu.memory_space<semaphore_mem>>) attributes {dimension_semantics = [#tpu.dimension_semantics<core_parallel>, #tpu.dimension_semantics<subcore_parallel>], iteration_bounds = array<i64: 2, 16>, scalar_prefetch = 0 : i64, scratch_operands = 3 : i64, tpu.core_type = #tpu.core_type<sc_vector_subcore>, window_params = [{transform_indices = #map}, {transform_indices = #map1}, {transform_indices = #map1}]} {
    %mul3A = arith.constant 2 : i32
    %mul3A_0 = arith.muli %arg1, %mul3A : i32
    %add3A = arith.addi %mul3A_0, %arg0 : i32
    %mul3A_1 = arith.constant 40000 : i32
    %mul3A_2 = arith.muli %add3A, %mul3A_1 : i32
    %scan3A = arith.constant 0 : i32
    %scan3A_3 = arith.constant 0 : i32
    %scan3A_4 = arith.constant 10 : i32
    %scan3A_5 = arith.addi %scan3A_3, %scan3A_4 : i32
    %scan3A_6 = arith.constant 1 : i32
    scf.for %scan3A_8 = %scan3A_3 to %scan3A_5 step %scan3A_6  : i32 {
      %mul3A_9 = arith.constant 4000 : i32
      %mul3A_10 = arith.muli %scan3A_8, %mul3A_9 : i32
      %add3A_11 = arith.addi %mul3A_2, %mul3A_10 : i32
      "tpu.region"() ({
        %run_scoped3A = tpu.sem_alloc : memref<!tpu.dma_semaphore, #tpu.memory_space<semaphore_mem>>
        %dma_start3A_16 = tpu.memref_slice %arg2[%add3A_11] : memref<1280000xi32, #tpu.memory_space<hbm>> -> memref<4000xi32, #tpu.memory_space<hbm>>
        %dma_start3A_17 = tpu.memref_slice %arg2[%add3A_11] : memref<1280000xi32, #tpu.memory_space<hbm>> -> memref<4000xi32, #tpu.memory_space<hbm>>
        tpu.enqueue_dma source(%dma_start3A_17 : memref<4000xi32, #tpu.memory_space<hbm>>) target(%arg5 : memref<4000xi32, #tpu.memory_space<vmem>>) target_semaphore(%run_scoped3A : memref<!tpu.dma_semaphore, #tpu.memory_space<semaphore_mem>>)
        %dma_wait3A_18 = tpu.memref_slice %arg2[%add3A_11] : memref<1280000xi32, #tpu.memory_space<hbm>> -> memref<4000xi32, #tpu.memory_space<hbm>>
        %dma_wait3A_19 = tpu.memref_slice %arg2[%add3A_11] : memref<1280000xi32, #tpu.memory_space<hbm>> -> memref<4000xi32, #tpu.memory_space<hbm>>
        tpu.wait_dma2 semaphore(%run_scoped3A : memref<!tpu.dma_semaphore, #tpu.memory_space<semaphore_mem>>) src(%dma_wait3A_19 : memref<4000xi32, #tpu.memory_space<hbm>>) dst(%arg5 : memref<4000xi32, #tpu.memory_space<vmem>>)
        tpu.yield
      }) : () -> ()
      %dma_start3A = arith.constant 0 : i32
      %dma_start3A_12 = arith.constant 0 : i32
      %dma_start3A_13 = tpu.memref_slice %arg3[%dma_start3A, %dma_start3A_12] : memref<10240x16xf32, #tpu.memory_space<hbm>> -> memref<10240x16xf32, #tpu.memory_space<hbm>>
      tpu.enqueue_indirect_dma source(%dma_start3A_13 : memref<10240x16xf32, #tpu.memory_space<hbm>>) target(%arg6 : memref<4000x16xf32, #tpu.memory_space<vmem>>) offsets(%arg5 : memref<4000xi32, #tpu.memory_space<vmem>>) semaphore(%arg7 : memref<!tpu.dma_semaphore, #tpu.memory_space<semaphore_mem>>)
      %dma_wait3A = arith.constant 0 : i32
      %dma_wait3A_14 = arith.constant 0 : i32
      %dma_wait3A_15 = tpu.memref_slice %arg3[%dma_wait3A, %dma_wait3A_14] : memref<10240x16xf32, #tpu.memory_space<hbm>> -> memref<10240x16xf32, #tpu.memory_space<hbm>>
      tpu.wait_indirect_dma semaphore(%arg7 : memref<!tpu.dma_semaphore, #tpu.memory_space<semaphore_mem>>) src(%dma_wait3A_15 : memref<10240x16xf32, #tpu.memory_space<hbm>>) dst(%arg6 : memref<4000x16xf32, #tpu.memory_space<vmem>>)
      "tpu.region"() ({
        %run_scoped3A = tpu.sem_alloc : memref<!tpu.dma_semaphore, #tpu.memory_space<semaphore_mem>>
        %dma_start3A_16 = arith.constant 0 : i32
        %dma_start3A_17 = tpu.memref_slice %arg4[%add3A_11, %dma_start3A_16] : memref<1280000x16xf32, #tpu.memory_space<hbm>> -> memref<4000x16xf32, #tpu.memory_space<hbm>>
        %dma_start3A_18 = arith.constant 0 : i32
        %dma_start3A_19 = tpu.memref_slice %arg4[%add3A_11, %dma_start3A_18] : memref<1280000x16xf32, #tpu.memory_space<hbm>> -> memref<4000x16xf32, #tpu.memory_space<hbm>>
        tpu.enqueue_dma source(%arg6 : memref<4000x16xf32, #tpu.memory_space<vmem>>) target(%dma_start3A_19 : memref<4000x16xf32, #tpu.memory_space<hbm>>) target_semaphore(%run_scoped3A : memref<!tpu.dma_semaphore, #tpu.memory_space<semaphore_mem>>)
        %dma_wait3A_20 = arith.constant 0 : i32
        %dma_wait3A_21 = tpu.memref_slice %arg4[%add3A_11, %dma_wait3A_20] : memref<1280000x16xf32, #tpu.memory_space<hbm>> -> memref<4000x16xf32, #tpu.memory_space<hbm>>
        %dma_wait3A_22 = arith.constant 0 : i32
        %dma_wait3A_23 = tpu.memref_slice %arg4[%add3A_11, %dma_wait3A_22] : memref<1280000x16xf32, #tpu.memory_space<hbm>> -> memref<4000x16xf32, #tpu.memory_space<hbm>>
        tpu.wait_dma2 semaphore(%run_scoped3A : memref<!tpu.dma_semaphore, #tpu.memory_space<semaphore_mem>>) src(%arg6 : memref<4000x16xf32, #tpu.memory_space<vmem>>) dst(%dma_wait3A_23 : memref<4000x16xf32, #tpu.memory_space<hbm>>)
        tpu.yield
      }) : () -> ()
    }
    %scan3A_7 = arith.constant 10 : i32
    return
  }
}

#map = affine_map<(d0, d1) -> (0)>
#map1 = affine_map<(d0, d1) -> (0, 0)>
module attributes {stable_mosaic.version = 14 : i64} {
  func.func @k(%arg0: i32, %arg1: i32, %arg2: memref<640000xi32, #tpu.memory_space<hbm>>, %arg3: memref<10240x16xf32, #tpu.memory_space<hbm>>, %arg4: memref<640000x16xf32, #tpu.memory_space<hbm>>, %arg5: memref<4000xi32, #tpu.memory_space<vmem>>, %arg6: memref<4000x16xf32, #tpu.memory_space<vmem>>, %arg7: memref<!tpu.dma_semaphore, #tpu.memory_space<semaphore_mem>>) attributes {dimension_semantics = [#tpu.dimension_semantics<core_parallel>, #tpu.dimension_semantics<subcore_parallel>], iteration_bounds = array<i64: 2, 16>, scalar_prefetch = 0 : i64, scratch_operands = 3 : i64, tpu.core_type = #tpu.core_type<sc_vector_subcore>, window_params = [{transform_indices = #map}, {transform_indices = #map1}, {transform_indices = #map1}]} {
    %mul3A = arith.constant 2 : i32
    %mul3A_0 = arith.muli %arg1, %mul3A : i32
    %add3A = arith.addi %mul3A_0, %arg0 : i32
    %mul3A_1 = arith.constant 20000 : i32
    %mul3A_2 = arith.muli %add3A, %mul3A_1 : i32
    %scan3A = arith.constant 0 : i32
    %scan3A_3 = arith.constant 0 : i32
    %scan3A_4 = arith.constant 5 : i32
    %scan3A_5 = arith.addi %scan3A_3, %scan3A_4 : i32
    %scan3A_6 = arith.constant 1 : i32
    scf.for %scan3A_8 = %scan3A_3 to %scan3A_5 step %scan3A_6  : i32 {
      %mul3A_9 = arith.constant 4000 : i32
      %mul3A_10 = arith.muli %scan3A_8, %mul3A_9 : i32
      %add3A_11 = arith.addi %mul3A_2, %mul3A_10 : i32
      "tpu.region"() ({
        %run_scoped3A = tpu.sem_alloc : memref<!tpu.dma_semaphore, #tpu.memory_space<semaphore_mem>>
        %dma_start3A_16 = tpu.memref_slice %arg2[%add3A_11] : memref<640000xi32, #tpu.memory_space<hbm>> -> memref<4000xi32, #tpu.memory_space<hbm>>
        %dma_start3A_17 = tpu.memref_slice %arg2[%add3A_11] : memref<640000xi32, #tpu.memory_space<hbm>> -> memref<4000xi32, #tpu.memory_space<hbm>>
        tpu.enqueue_dma source(%dma_start3A_17 : memref<4000xi32, #tpu.memory_space<hbm>>) target(%arg5 : memref<4000xi32, #tpu.memory_space<vmem>>) target_semaphore(%run_scoped3A : memref<!tpu.dma_semaphore, #tpu.memory_space<semaphore_mem>>)
        %dma_wait3A_18 = tpu.memref_slice %arg2[%add3A_11] : memref<640000xi32, #tpu.memory_space<hbm>> -> memref<4000xi32, #tpu.memory_space<hbm>>
        %dma_wait3A_19 = tpu.memref_slice %arg2[%add3A_11] : memref<640000xi32, #tpu.memory_space<hbm>> -> memref<4000xi32, #tpu.memory_space<hbm>>
        tpu.wait_dma2 semaphore(%run_scoped3A : memref<!tpu.dma_semaphore, #tpu.memory_space<semaphore_mem>>) src(%dma_wait3A_19 : memref<4000xi32, #tpu.memory_space<hbm>>) dst(%arg5 : memref<4000xi32, #tpu.memory_space<vmem>>)
        tpu.yield
      }) : () -> ()
      %dma_start3A = arith.constant 0 : i32
      %dma_start3A_12 = arith.constant 0 : i32
      %dma_start3A_13 = tpu.memref_slice %arg3[%dma_start3A, %dma_start3A_12] : memref<10240x16xf32, #tpu.memory_space<hbm>> -> memref<10240x16xf32, #tpu.memory_space<hbm>>
      tpu.enqueue_indirect_dma source(%dma_start3A_13 : memref<10240x16xf32, #tpu.memory_space<hbm>>) target(%arg6 : memref<4000x16xf32, #tpu.memory_space<vmem>>) offsets(%arg5 : memref<4000xi32, #tpu.memory_space<vmem>>) semaphore(%arg7 : memref<!tpu.dma_semaphore, #tpu.memory_space<semaphore_mem>>)
      %dma_wait3A = arith.constant 0 : i32
      %dma_wait3A_14 = arith.constant 0 : i32
      %dma_wait3A_15 = tpu.memref_slice %arg3[%dma_wait3A, %dma_wait3A_14] : memref<10240x16xf32, #tpu.memory_space<hbm>> -> memref<10240x16xf32, #tpu.memory_space<hbm>>
      tpu.wait_indirect_dma semaphore(%arg7 : memref<!tpu.dma_semaphore, #tpu.memory_space<semaphore_mem>>) src(%dma_wait3A_15 : memref<10240x16xf32, #tpu.memory_space<hbm>>) dst(%arg6 : memref<4000x16xf32, #tpu.memory_space<vmem>>)
      "tpu.region"() ({
        %run_scoped3A = tpu.sem_alloc : memref<!tpu.dma_semaphore, #tpu.memory_space<semaphore_mem>>
        %dma_start3A_16 = arith.constant 0 : i32
        %dma_start3A_17 = tpu.memref_slice %arg4[%add3A_11, %dma_start3A_16] : memref<640000x16xf32, #tpu.memory_space<hbm>> -> memref<4000x16xf32, #tpu.memory_space<hbm>>
        %dma_start3A_18 = arith.constant 0 : i32
        %dma_start3A_19 = tpu.memref_slice %arg4[%add3A_11, %dma_start3A_18] : memref<640000x16xf32, #tpu.memory_space<hbm>> -> memref<4000x16xf32, #tpu.memory_space<hbm>>
        tpu.enqueue_dma source(%arg6 : memref<4000x16xf32, #tpu.memory_space<vmem>>) target(%dma_start3A_19 : memref<4000x16xf32, #tpu.memory_space<hbm>>) target_semaphore(%run_scoped3A : memref<!tpu.dma_semaphore, #tpu.memory_space<semaphore_mem>>)
        %dma_wait3A_20 = arith.constant 0 : i32
        %dma_wait3A_21 = tpu.memref_slice %arg4[%add3A_11, %dma_wait3A_20] : memref<640000x16xf32, #tpu.memory_space<hbm>> -> memref<4000x16xf32, #tpu.memory_space<hbm>>
        %dma_wait3A_22 = arith.constant 0 : i32
        %dma_wait3A_23 = tpu.memref_slice %arg4[%add3A_11, %dma_wait3A_22] : memref<640000x16xf32, #tpu.memory_space<hbm>> -> memref<4000x16xf32, #tpu.memory_space<hbm>>
        tpu.wait_dma2 semaphore(%run_scoped3A : memref<!tpu.dma_semaphore, #tpu.memory_space<semaphore_mem>>) src(%arg6 : memref<4000x16xf32, #tpu.memory_space<vmem>>) dst(%dma_wait3A_23 : memref<4000x16xf32, #tpu.memory_space<hbm>>)
        tpu.yield
      }) : () -> ()
    }
    %scan3A_7 = arith.constant 5 : i32
    return
  }
}

#map = affine_map<(d0, d1) -> (0, 0)>
#map1 = affine_map<(d0, d1) -> (0)>
module attributes {stable_mosaic.version = 14 : i64} {
  func.func @k(%arg0: i32, %arg1: i32, %arg2: memref<640000x16xf32, #tpu.memory_space<hbm>>, %arg3: memref<1280000xi32, #tpu.memory_space<hbm>>, %arg4: memref<10240x16xf32, #tpu.memory_space<hbm>>, %arg5: memref<20480x16xf32, #tpu.memory_space<hbm>>, %arg6: memref<4000xi32, #tpu.memory_space<vmem>>, %arg7: memref<4000x16xf32, #tpu.memory_space<vmem>>, %arg8: memref<10240x16xf32, #tpu.memory_space<vmem_shared>>) attributes {dimension_semantics = [#tpu.dimension_semantics<core_parallel>, #tpu.dimension_semantics<subcore_parallel>], iteration_bounds = array<i64: 2, 16>, scalar_prefetch = 0 : i64, scratch_operands = 3 : i64, tpu.core_type = #tpu.core_type<sc_vector_subcore>, window_params = [{transform_indices = #map}, {transform_indices = #map1}, {transform_indices = #map}, {transform_indices = #map}]} {
    %mul3A = arith.constant 2 : i32
    %mul3A_0 = arith.muli %arg1, %mul3A : i32
    %add3A = arith.addi %mul3A_0, %arg0 : i32
    %mul3A_1 = arith.constant 640 : i32
    %mul3A_2 = arith.muli %arg1, %mul3A_1 : i32
    "tpu.region"() ({
      %run_scoped3A = tpu.sem_alloc : memref<!tpu.dma_semaphore, #tpu.memory_space<semaphore_mem>>
      %dma_start3A = arith.constant 0 : i32
      %dma_start3A_14 = tpu.memref_slice %arg8[%mul3A_2, %dma_start3A] : memref<10240x16xf32, #tpu.memory_space<vmem_shared>> -> memref<640x16xf32, #tpu.memory_space<vmem_shared>>
      %dma_start3A_15 = arith.constant 0 : i32
      %dma_start3A_16 = tpu.memref_slice %arg4[%mul3A_2, %dma_start3A_15] : memref<10240x16xf32, #tpu.memory_space<hbm>> -> memref<640x16xf32, #tpu.memory_space<hbm>>
      tpu.enqueue_dma source(%dma_start3A_16 : memref<640x16xf32, #tpu.memory_space<hbm>>) target(%dma_start3A_14 : memref<640x16xf32, #tpu.memory_space<vmem_shared>>) target_semaphore(%run_scoped3A : memref<!tpu.dma_semaphore, #tpu.memory_space<semaphore_mem>>)
      %dma_wait3A = arith.constant 0 : i32
      %dma_wait3A_17 = tpu.memref_slice %arg8[%mul3A_2, %dma_wait3A] : memref<10240x16xf32, #tpu.memory_space<vmem_shared>> -> memref<640x16xf32, #tpu.memory_space<vmem_shared>>
      %dma_wait3A_18 = arith.constant 0 : i32
      %dma_wait3A_19 = tpu.memref_slice %arg4[%mul3A_2, %dma_wait3A_18] : memref<10240x16xf32, #tpu.memory_space<hbm>> -> memref<640x16xf32, #tpu.memory_space<hbm>>
      tpu.wait_dma2 semaphore(%run_scoped3A : memref<!tpu.dma_semaphore, #tpu.memory_space<semaphore_mem>>) src(%dma_wait3A_19 : memref<640x16xf32, #tpu.memory_space<hbm>>) dst(%dma_wait3A_17 : memref<640x16xf32, #tpu.memory_space<vmem_shared>>)
      tpu.yield
    }) : () -> ()
    %barrier3A = arith.constant 0 : index
    tpu.barrier barrier_id(%barrier3A)
    %mul3A_3 = arith.constant 20000 : i32
    %mul3A_4 = arith.muli %add3A, %mul3A_3 : i32
    %scan3A = arith.constant 0 : i32
    %scan3A_5 = arith.constant 0 : i32
    %scan3A_6 = arith.constant 5 : i32
    %scan3A_7 = arith.addi %scan3A_5, %scan3A_6 : i32
    %scan3A_8 = arith.constant 1 : i32
    scf.for %scan3A_14 = %scan3A_5 to %scan3A_7 step %scan3A_8  : i32 {
      %mul3A_15 = arith.constant 4000 : i32
      %mul3A_16 = arith.muli %scan3A_14, %mul3A_15 : i32
      %add3A_17 = arith.addi %mul3A_4, %mul3A_16 : i32
      %add3A_18 = arith.constant 640000 : i32
      %add3A_19 = arith.addi %add3A_18, %add3A_17 : i32
      "tpu.region"() ({
        %run_scoped3A = tpu.sem_alloc : memref<!tpu.dma_semaphore, #tpu.memory_space<semaphore_mem>>
        %dma_start3A = tpu.memref_slice %arg3[%add3A_19] : memref<1280000xi32, #tpu.memory_space<hbm>> -> memref<4000xi32, #tpu.memory_space<hbm>>
        %dma_start3A_20 = tpu.memref_slice %arg3[%add3A_19] : memref<1280000xi32, #tpu.memory_space<hbm>> -> memref<4000xi32, #tpu.memory_space<hbm>>
        tpu.enqueue_dma source(%dma_start3A_20 : memref<4000xi32, #tpu.memory_space<hbm>>) target(%arg6 : memref<4000xi32, #tpu.memory_space<vmem>>) target_semaphore(%run_scoped3A : memref<!tpu.dma_semaphore, #tpu.memory_space<semaphore_mem>>)
        %dma_wait3A = tpu.memref_slice %arg3[%add3A_19] : memref<1280000xi32, #tpu.memory_space<hbm>> -> memref<4000xi32, #tpu.memory_space<hbm>>
        %dma_wait3A_21 = tpu.memref_slice %arg3[%add3A_19] : memref<1280000xi32, #tpu.memory_space<hbm>> -> memref<4000xi32, #tpu.memory_space<hbm>>
        tpu.wait_dma2 semaphore(%run_scoped3A : memref<!tpu.dma_semaphore, #tpu.memory_space<semaphore_mem>>) src(%dma_wait3A_21 : memref<4000xi32, #tpu.memory_space<hbm>>) dst(%arg6 : memref<4000xi32, #tpu.memory_space<vmem>>)
        tpu.yield
      }) : () -> ()
      "tpu.region"() ({
        %run_scoped3A = tpu.sem_alloc : memref<!tpu.dma_semaphore, #tpu.memory_space<semaphore_mem>>
        %dma_start3A = arith.constant 0 : i32
        %dma_start3A_20 = tpu.memref_slice %arg2[%add3A_17, %dma_start3A] : memref<640000x16xf32, #tpu.memory_space<hbm>> -> memref<4000x16xf32, #tpu.memory_space<hbm>>
        %dma_start3A_21 = arith.constant 0 : i32
        %dma_start3A_22 = tpu.memref_slice %arg2[%add3A_17, %dma_start3A_21] : memref<640000x16xf32, #tpu.memory_space<hbm>> -> memref<4000x16xf32, #tpu.memory_space<hbm>>
        tpu.enqueue_dma source(%dma_start3A_22 : memref<4000x16xf32, #tpu.memory_space<hbm>>) target(%arg7 : memref<4000x16xf32, #tpu.memory_space<vmem>>) target_semaphore(%run_scoped3A : memref<!tpu.dma_semaphore, #tpu.memory_space<semaphore_mem>>)
        %dma_wait3A = arith.constant 0 : i32
        %dma_wait3A_23 = tpu.memref_slice %arg2[%add3A_17, %dma_wait3A] : memref<640000x16xf32, #tpu.memory_space<hbm>> -> memref<4000x16xf32, #tpu.memory_space<hbm>>
        %dma_wait3A_24 = arith.constant 0 : i32
        %dma_wait3A_25 = tpu.memref_slice %arg2[%add3A_17, %dma_wait3A_24] : memref<640000x16xf32, #tpu.memory_space<hbm>> -> memref<4000x16xf32, #tpu.memory_space<hbm>>
        tpu.wait_dma2 semaphore(%run_scoped3A : memref<!tpu.dma_semaphore, #tpu.memory_space<semaphore_mem>>) src(%dma_wait3A_25 : memref<4000x16xf32, #tpu.memory_space<hbm>>) dst(%arg7 : memref<4000x16xf32, #tpu.memory_space<vmem>>)
        tpu.yield
      }) : () -> ()
      "tpu.region"() ({
        %run_scoped3A = tpu.sem_alloc : memref<!tpu.dma_semaphore, #tpu.memory_space<semaphore_mem>>
        %dma_start3A = arith.constant 0 : i32
        %dma_start3A_20 = arith.constant 0 : i32
        %dma_start3A_21 = tpu.memref_slice %arg8[%dma_start3A, %dma_start3A_20] : memref<10240x16xf32, #tpu.memory_space<vmem_shared>> -> memref<10240x16xf32, #tpu.memory_space<vmem_shared>>
        tpu.enqueue_indirect_dma source(%arg7 : memref<4000x16xf32, #tpu.memory_space<vmem>>) target(%dma_start3A_21 : memref<10240x16xf32, #tpu.memory_space<vmem_shared>>) offsets(%arg6 : memref<4000xi32, #tpu.memory_space<vmem>>) semaphore(%run_scoped3A : memref<!tpu.dma_semaphore, #tpu.memory_space<semaphore_mem>>) {add = true}
        %dma_wait3A = arith.constant 0 : i32
        %dma_wait3A_22 = arith.constant 0 : i32
        %dma_wait3A_23 = tpu.memref_slice %arg8[%dma_wait3A, %dma_wait3A_22] : memref<10240x16xf32, #tpu.memory_space<vmem_shared>> -> memref<10240x16xf32, #tpu.memory_space<vmem_shared>>
        tpu.wait_indirect_dma semaphore(%run_scoped3A : memref<!tpu.dma_semaphore, #tpu.memory_space<semaphore_mem>>) src(%arg7 : memref<4000x16xf32, #tpu.memory_space<vmem>>) dst(%dma_wait3A_23 : memref<10240x16xf32, #tpu.memory_space<vmem_shared>>)
        tpu.yield
      }) : () -> ()
    }
    %scan3A_9 = arith.constant 5 : i32
    %barrier3A_10 = arith.constant 0 : index
    tpu.barrier barrier_id(%barrier3A_10)
    %mul3A_11 = arith.constant 10240 : i32
    %mul3A_12 = arith.muli %arg0, %mul3A_11 : i32
    %add3A_13 = arith.addi %mul3A_12, %mul3A_2 : i32
    "tpu.region"() ({
      %run_scoped3A = tpu.sem_alloc : memref<!tpu.dma_semaphore, #tpu.memory_space<semaphore_mem>>
      %dma_start3A = arith.constant 0 : i32
      %dma_start3A_14 = tpu.memref_slice %arg5[%add3A_13, %dma_start3A] : memref<20480x16xf32, #tpu.memory_space<hbm>> -> memref<640x16xf32, #tpu.memory_space<hbm>>
      %dma_start3A_15 = arith.constant 0 : i32
      %dma_start3A_16 = tpu.memref_slice %arg8[%mul3A_2, %dma_start3A_15] : memref<10240x16xf32, #tpu.memory_space<vmem_shared>> -> memref<640x16xf32, #tpu.memory_space<vmem_shared>>
      tpu.enqueue_dma source(%dma_start3A_16 : memref<640x16xf32, #tpu.memory_space<vmem_shared>>) target(%dma_start3A_14 : memref<640x16xf32, #tpu.memory_space<hbm>>) target_semaphore(%run_scoped3A : memref<!tpu.dma_semaphore, #tpu.memory_space<semaphore_mem>>)
      %dma_wait3A = arith.constant 0 : i32
      %dma_wait3A_17 = tpu.memref_slice %arg5[%add3A_13, %dma_wait3A] : memref<20480x16xf32, #tpu.memory_space<hbm>> -> memref<640x16xf32, #tpu.memory_space<hbm>>
      %dma_wait3A_18 = arith.constant 0 : i32
      %dma_wait3A_19 = tpu.memref_slice %arg8[%mul3A_2, %dma_wait3A_18] : memref<10240x16xf32, #tpu.memory_space<vmem_shared>> -> memref<640x16xf32, #tpu.memory_space<vmem_shared>>
      tpu.wait_dma2 semaphore(%run_scoped3A : memref<!tpu.dma_semaphore, #tpu.memory_space<semaphore_mem>>) src(%dma_wait3A_19 : memref<640x16xf32, #tpu.memory_space<vmem_shared>>) dst(%dma_wait3A_17 : memref<640x16xf32, #tpu.memory_space<hbm>>)
      tpu.yield
    }) : () -> ()
    return
  }
}

module attributes {stable_mosaic.version = 14 : i64} {
  func.func @body(%arg0: memref<10240x16xf32, #tpu.memory_space<vmem>>, %arg1: memref<10240x3xf32, #tpu.memory_space<vmem>>, %arg2: memref<16x8xf32, #tpu.memory_space<vmem>>, %arg3: memref<3x8xf32, #tpu.memory_space<vmem>>, %arg4: memref<8x16xf32, #tpu.memory_space<vmem>>, %arg5: memref<8x16xf32, #tpu.memory_space<vmem>>, %arg6: memref<10240x16xf32, #tpu.memory_space<vmem>>) attributes {dimension_semantics = [], scalar_prefetch = 0 : i64, scratch_operands = 0 : i64, tpu.core_type = #tpu.core_type<tc>} {
    %get3A = arith.constant 0 : index
    %get3A_0 = arith.constant 0 : index
    %get3A_1 = vector.load %arg0[%get3A, %get3A_0] : memref<10240x16xf32, #tpu.memory_space<vmem>>, vector<10240x16xf32>
    %get3A_2 = arith.constant 0 : index
    %get3A_3 = arith.constant 0 : index
    %get3A_4 = vector.load %arg2[%get3A_2, %get3A_3] : memref<16x8xf32, #tpu.memory_space<vmem>>, vector<16x8xf32>
    %dot_general3A = arith.constant dense<0.000000e+00> : vector<10240x8xf32>
    %dot_general3A_5 = tpu.matmul %get3A_1, %get3A_4, %dot_general3A {dimension_numbers = #tpu.dot_dimension_numbers<[1], [0], [0], [1], [0, 0, 1, 1], [], []>, transpose_lhs_hint = false} : vector<10240x16xf32>, vector<16x8xf32>, vector<10240x8xf32> -> vector<10240x8xf32>
    %max3A = arith.constant 0.000000e+00 : f32
    %max3A_6 = vector.broadcast %max3A : f32 to vector<10240x8xf32>
    %max3A_7 = arith.maximumf %dot_general3A_5, %max3A_6 : vector<10240x8xf32>
    %get3A_8 = arith.constant 0 : index
    %get3A_9 = arith.constant 0 : index
    %get3A_10 = vector.load %arg1[%get3A_8, %get3A_9] : memref<10240x3xf32, #tpu.memory_space<vmem>>, vector<10240x3xf32>
    %get3A_11 = arith.constant 0 : index
    %get3A_12 = arith.constant 0 : index
    %get3A_13 = vector.load %arg3[%get3A_11, %get3A_12] : memref<3x8xf32, #tpu.memory_space<vmem>>, vector<3x8xf32>
    %dot_general3A_14 = arith.constant dense<0.000000e+00> : vector<10240x8xf32>
    %dot_general3A_15 = tpu.matmul %get3A_10, %get3A_13, %dot_general3A_14 {dimension_numbers = #tpu.dot_dimension_numbers<[1], [0], [0], [1], [0, 0, 1, 1], [], []>, transpose_lhs_hint = false} : vector<10240x3xf32>, vector<3x8xf32>, vector<10240x8xf32> -> vector<10240x8xf32>
    %max3A_16 = arith.constant 0.000000e+00 : f32
    %max3A_17 = vector.broadcast %max3A_16 : f32 to vector<10240x8xf32>
    %max3A_18 = arith.maximumf %dot_general3A_15, %max3A_17 : vector<10240x8xf32>
    %get3A_19 = arith.constant 0 : index
    %get3A_20 = arith.constant 0 : index
    %get3A_21 = vector.load %arg4[%get3A_19, %get3A_20] : memref<8x16xf32, #tpu.memory_space<vmem>>, vector<8x16xf32>
    %dot_general3A_22 = arith.constant dense<0.000000e+00> : vector<10240x16xf32>
    %dot_general3A_23 = tpu.matmul %max3A_7, %get3A_21, %dot_general3A_22 {dimension_numbers = #tpu.dot_dimension_numbers<[1], [0], [0], [1], [0, 0, 1, 1], [], []>, transpose_lhs_hint = false} : vector<10240x8xf32>, vector<8x16xf32>, vector<10240x16xf32> -> vector<10240x16xf32>
    %get3A_24 = arith.constant 0 : index
    %get3A_25 = arith.constant 0 : index
    %get3A_26 = vector.load %arg5[%get3A_24, %get3A_25] : memref<8x16xf32, #tpu.memory_space<vmem>>, vector<8x16xf32>
    %dot_general3A_27 = arith.constant dense<0.000000e+00> : vector<10240x16xf32>
    %dot_general3A_28 = tpu.matmul %max3A_18, %get3A_26, %dot_general3A_27 {dimension_numbers = #tpu.dot_dimension_numbers<[1], [0], [0], [1], [0, 0, 1, 1], [], []>, transpose_lhs_hint = false} : vector<10240x8xf32>, vector<8x16xf32>, vector<10240x16xf32> -> vector<10240x16xf32>
    %add3A = arith.addf %dot_general3A_23, %dot_general3A_28 : vector<10240x16xf32>
    %swap3A = arith.constant 0 : index
    %swap3A_29 = arith.constant 0 : index
    %swap3A_30 = vector.load %arg6[%swap3A, %swap3A_29] : memref<10240x16xf32, #tpu.memory_space<vmem>>, vector<10240x16xf32>
    tpu.vector_store %arg6[%swap3A, %swap3A_29], %add3A {strides = array<i32>} : memref<10240x16xf32, #tpu.memory_space<vmem>>, vector<10240x16xf32>,
    return
  }
}

module attributes {stable_mosaic.version = 14 : i64} {
  func.func @body(%arg0: i32, %arg1: memref<1000x128xf32, #tpu.memory_space<vmem>>, %arg2: memref<1000x128xf32, #tpu.memory_space<vmem>>, %arg3: memref<8000x1xf32, #tpu.memory_space<vmem>>, %arg4: memref<8000x3xf32, #tpu.memory_space<vmem>>, %arg5: memref<32x8xf32, #tpu.memory_space<vmem>>, %arg6: memref<32x64xf32, #tpu.memory_space<vmem>>, %arg7: memref<128x128xf32, #tpu.memory_space<vmem>>, %arg8: memref<8x128xf32, #tpu.memory_space<vmem>>, %arg9: memref<8x128xf32, #tpu.memory_space<vmem>>, %arg10: memref<1x128xf32, #tpu.memory_space<vmem>>, %arg11: memref<128x16xf32, #tpu.memory_space<vmem>>, %arg12: memref<128x128xf32, #tpu.memory_space<vmem>>, %arg13: memref<64x128xf32, #tpu.memory_space<vmem>>, %arg14: memref<1x128xf32, #tpu.memory_space<vmem>>, %arg15: memref<128x16xf32, #tpu.memory_space<vmem>>, %arg16: memref<8x128xf32, #tpu.memory_space<vmem>>, %arg17: memref<8x128xf32, #tpu.memory_space<vmem>>, %arg18: memref<16x128xf32, #tpu.memory_space<vmem>>, %arg19: memref<64x128xf32, #tpu.memory_space<vmem>>, %arg20: memref<16x128xf32, #tpu.memory_space<vmem>>, %arg21: memref<1000x128xf32, #tpu.memory_space<vmem>>) attributes {dimension_semantics = [#tpu.dimension_semantics<arbitrary>], iteration_bounds = array<i64: 80>, scalar_prefetch = 0 : i64, scratch_operands = 0 : i64, tpu.core_type = #tpu.core_type<tc>, window_params = [{transform_indices = @transform_0, window_bounds = array<i64: 1000, 128>}, {transform_indices = @transform_1, window_bounds = array<i64: 1000, 128>}, {transform_indices = @transform_2, window_bounds = array<i64: 8000, 1>}, {transform_indices = @transform_3, window_bounds = array<i64: 8000, 3>}, {pipeline_mode = #tpu.pipeline_mode<synchronous>, transform_indices = @transform_4, window_bounds = array<i64: 32, 8>}, {pipeline_mode = #tpu.pipeline_mode<synchronous>, transform_indices = @transform_5, window_bounds = array<i64: 32, 64>}, {pipeline_mode = #tpu.pipeline_mode<synchronous>, transform_indices = @transform_6, window_bounds = array<i64: 128, 128>}, {pipeline_mode = #tpu.pipeline_mode<synchronous>, transform_indices = @transform_7, window_bounds = array<i64: 8, 128>}, {pipeline_mode = #tpu.pipeline_mode<synchronous>, transform_indices = @transform_8, window_bounds = array<i64: 8, 128>}, {pipeline_mode = #tpu.pipeline_mode<synchronous>, transform_indices = @transform_9, window_bounds = array<i64: 1, 128>}, {pipeline_mode = #tpu.pipeline_mode<synchronous>, transform_indices = @transform_10, window_bounds = array<i64: 128, 16>}, {pipeline_mode = #tpu.pipeline_mode<synchronous>, transform_indices = @transform_11, window_bounds = array<i64: 128, 128>}, {pipeline_mode = #tpu.pipeline_mode<synchronous>, transform_indices = @transform_12, window_bounds = array<i64: 64, 128>}, {pipeline_mode = #tpu.pipeline_mode<synchronous>, transform_indices = @transform_13, window_bounds = array<i64: 1, 128>}, {pipeline_mode = #tpu.pipeline_mode<synchronous>, transform_indices = @transform_14, window_bounds = array<i64: 128, 16>}, {pipeline_mode = #tpu.pipeline_mode<synchronous>, transform_indices = @transform_15, window_bounds = array<i64: 8, 128>}, {pipeline_mode = #tpu.pipeline_mode<synchronous>, transform_indices = @transform_16, window_bounds = array<i64: 8, 128>}, {pipeline_mode = #tpu.pipeline_mode<synchronous>, transform_indices = @transform_17, window_bounds = array<i64: 16, 128>}, {pipeline_mode = #tpu.pipeline_mode<synchronous>, transform_indices = @transform_18, window_bounds = array<i64: 64, 128>}, {pipeline_mode = #tpu.pipeline_mode<synchronous>, transform_indices = @transform_19, window_bounds = array<i64: 16, 128>}, {transform_indices = @transform_20, window_bounds = array<i64: 1000, 128>}]} {
    %get3A = arith.constant 0 : index
    %get3A_0 = arith.constant 0 : index
    %get3A_1 = vector.load %arg3[%get3A, %get3A_0] : memref<8000x1xf32, #tpu.memory_space<vmem>>, vector<8000x1xf32>
    %reshape3A = vector.shape_cast %get3A_1 : vector<8000x1xf32> to vector<1000x8x1xf32>
    %get3A_2 = arith.constant 0 : index
    %get3A_3 = arith.constant 0 : index
    %get3A_4 = vector.load %arg4[%get3A_2, %get3A_3] : memref<8000x3xf32, #tpu.memory_space<vmem>>, vector<8000x3xf32>
    %reshape3A_5 = vector.shape_cast %get3A_4 : vector<8000x3xf32> to vector<1000x8x3xf32>
    %broadcast_in_dim3A = vector.shape_cast %reshape3A : vector<1000x8x1xf32> to vector<1000x8x1xf32>
    %broadcast_in_dim3A_6 = vector.broadcast %broadcast_in_dim3A : vector<1000x8x1xf32> to vector<1000x8x8xf32>
    %slice3A = vector.extract_strided_slice %reshape3A_5 {offsets = [0, 0, 0], sizes = [1000, 8, 1], strides = [1, 1, 1]} : vector<1000x8x3xf32> to vector<1000x8x1xf32>
    %broadcast_in_dim3A_7 = vector.shape_cast %slice3A : vector<1000x8x1xf32> to vector<1000x8x1xf32>
    %broadcast_in_dim3A_8 = vector.broadcast %broadcast_in_dim3A_7 : vector<1000x8x1xf32> to vector<1000x8x8xf32>
    %slice3A_9 = vector.extract_strided_slice %reshape3A_5 {offsets = [0, 0, 1], sizes = [1000, 8, 1], strides = [1, 1, 1]} : vector<1000x8x3xf32> to vector<1000x8x1xf32>
    %broadcast_in_dim3A_10 = vector.shape_cast %slice3A_9 : vector<1000x8x1xf32> to vector<1000x8x1xf32>
    %broadcast_in_dim3A_11 = vector.broadcast %broadcast_in_dim3A_10 : vector<1000x8x1xf32> to vector<1000x8x8xf32>
    %slice3A_12 = vector.extract_strided_slice %reshape3A_5 {offsets = [0, 0, 2], sizes = [1000, 8, 1], strides = [1, 1, 1]} : vector<1000x8x3xf32> to vector<1000x8x1xf32>
    %broadcast_in_dim3A_13 = vector.shape_cast %slice3A_12 : vector<1000x8x1xf32> to vector<1000x8x1xf32>
    %broadcast_in_dim3A_14 = vector.broadcast %broadcast_in_dim3A_13 : vector<1000x8x1xf32> to vector<1000x8x8xf32>
    %concatenate3A = tpu.concatenate %broadcast_in_dim3A_6, %broadcast_in_dim3A_8, %broadcast_in_dim3A_11, %broadcast_in_dim3A_14 in 2 : vector<1000x8x8xf32>, vector<1000x8x8xf32>, vector<1000x8x8xf32>, vector<1000x8x8xf32> -> vector<1000x8x32xf32>
    %iota3A = tpu.iota {dimensions = array<i32: 0>} : vector<8x8xi32>
    %iota3A_15 = tpu.iota {dimensions = array<i32: 1>} : vector<8x8xi32>
    %add3A = arith.constant 0 : i32
    %add3A_16 = vector.broadcast %add3A : i32 to vector<8x8xi32>
    %add3A_17 = arith.addi %iota3A, %add3A_16 : vector<8x8xi32>
    %eq3A = arith.cmpi eq, %add3A_17, %iota3A_15 : vector<8x8xi32>
    %convert_element_type3A = arith.extui %eq3A : vector<8x8xi1> to vector<8x8xi32>
    %convert_element_type3A_18 = arith.sitofp %convert_element_type3A : vector<8x8xi32> to vector<8x8xf32>
    %concatenate3A_19 = tpu.concatenate %convert_element_type3A_18, %convert_element_type3A_18, %convert_element_type3A_18, %convert_element_type3A_18 in 1 : vector<8x8xf32>, vector<8x8xf32>, vector<8x8xf32>, vector<8x8xf32> -> vector<8x32xf32>
    %broadcast_in_dim3A_20 = vector.shape_cast %concatenate3A_19 : vector<8x32xf32> to vector<1x8x32xf32>
    %mul3A = vector.broadcast %broadcast_in_dim3A_20 : vector<1x8x32xf32> to vector<1000x8x32xf32>
    %mul3A_21 = arith.mulf %concatenate3A, %mul3A : vector<1000x8x32xf32>
    %reduce_sum3A = arith.constant dense<0.000000e+00> : vector<1000x32xf32>
    %reduce_sum3A_22 = vector.multi_reduction <add>, %mul3A_21, %reduce_sum3A [1] : vector<1000x8x32xf32> to vector<1000x32xf32>
    %get3A_23 = arith.constant 0 : index
    %get3A_24 = arith.constant 0 : index
    %get3A_25 = vector.load %arg5[%get3A_23, %get3A_24] : memref<32x8xf32, #tpu.memory_space<vmem>>, vector<32x8xf32>
    %dot_general3A = arith.constant dense<0.000000e+00> : vector<1000x8xf32>
    %dot_general3A_26 = tpu.matmul %reduce_sum3A_22, %get3A_25, %dot_general3A {dimension_numbers = #tpu.dot_dimension_numbers<[1], [0], [0], [1], [0, 0, 1, 1], [], []>, transpose_lhs_hint = false} : vector<1000x32xf32>, vector<32x8xf32>, vector<1000x8xf32> -> vector<1000x8xf32>
    %max3A = arith.constant 0.000000e+00 : f32
    %max3A_27 = vector.broadcast %max3A : f32 to vector<1000x8xf32>
    %max3A_28 = arith.maximumf %dot_general3A_26, %max3A_27 : vector<1000x8xf32>
    %neg3A = arith.constant 0.000000e+00 : f32
    %neg3A_29 = vector.broadcast %neg3A : f32 to vector<1000x8xf32>
    %neg3A_30 = arith.subf %neg3A_29, %dot_general3A_26 : vector<1000x8xf32>
    %max3A_31 = arith.constant 0.000000e+00 : f32
    %max3A_32 = vector.broadcast %max3A_31 : f32 to vector<1000x8xf32>
    %max3A_33 = arith.maximumf %neg3A_30, %max3A_32 : vector<1000x8xf32>
    %get3A_34 = arith.constant 0 : index
    %get3A_35 = arith.constant 0 : index
    %get3A_36 = vector.load %arg1[%get3A_34, %get3A_35] : memref<1000x128xf32, #tpu.memory_space<vmem>>, vector<1000x128xf32>
    %get3A_37 = arith.constant 0 : index
    %get3A_38 = arith.constant 0 : index
    %get3A_39 = vector.load %arg2[%get3A_37, %get3A_38] : memref<1000x128xf32, #tpu.memory_space<vmem>>, vector<1000x128xf32>
    %add3A_40 = arith.addf %get3A_36, %get3A_39 : vector<1000x128xf32>
    %get3A_41 = arith.constant 0 : index
    %get3A_42 = arith.constant 0 : index
    %get3A_43 = vector.load %arg7[%get3A_41, %get3A_42] : memref<128x128xf32, #tpu.memory_space<vmem>>, vector<128x128xf32>
    %dot_general3A_44 = arith.constant dense<0.000000e+00> : vector<1000x128xf32>
    %dot_general3A_45 = tpu.matmul %add3A_40, %get3A_43, %dot_general3A_44 {dimension_numbers = #tpu.dot_dimension_numbers<[1], [0], [0], [1], [0, 0, 1, 1], [], []>, transpose_lhs_hint = false} : vector<1000x128xf32>, vector<128x128xf32>, vector<1000x128xf32> -> vector<1000x128xf32>
    %get3A_46 = arith.constant 0 : index
    %get3A_47 = arith.constant 0 : index
    %get3A_48 = vector.load %arg8[%get3A_46, %get3A_47] : memref<8x128xf32, #tpu.memory_space<vmem>>, vector<8x128xf32>
    %dot_general3A_49 = arith.constant dense<0.000000e+00> : vector<1000x128xf32>
    %dot_general3A_50 = tpu.matmul %max3A_28, %get3A_48, %dot_general3A_49 {dimension_numbers = #tpu.dot_dimension_numbers<[1], [0], [0], [1], [0, 0, 1, 1], [], []>, transpose_lhs_hint = false} : vector<1000x8xf32>, vector<8x128xf32>, vector<1000x128xf32> -> vector<1000x128xf32>
    %add3A_51 = arith.addf %dot_general3A_45, %dot_general3A_50 : vector<1000x128xf32>
    %get3A_52 = arith.constant 0 : index
    %get3A_53 = arith.constant 0 : index
    %get3A_54 = vector.load %arg9[%get3A_52, %get3A_53] : memref<8x128xf32, #tpu.memory_space<vmem>>, vector<8x128xf32>
    %dot_general3A_55 = arith.constant dense<0.000000e+00> : vector<1000x128xf32>
    %dot_general3A_56 = tpu.matmul %max3A_33, %get3A_54, %dot_general3A_55 {dimension_numbers = #tpu.dot_dimension_numbers<[1], [0], [0], [1], [0, 0, 1, 1], [], []>, transpose_lhs_hint = false} : vector<1000x8xf32>, vector<8x128xf32>, vector<1000x128xf32> -> vector<1000x128xf32>
    %add3A_57 = arith.addf %add3A_51, %dot_general3A_56 : vector<1000x128xf32>
    %get3A_58 = arith.constant 0 : index
    %get3A_59 = arith.constant 0 : index
    %get3A_60 = vector.load %arg10[%get3A_58, %get3A_59] : memref<1x128xf32, #tpu.memory_space<vmem>>, vector<1x128xf32>
    %add3A_61 = vector.broadcast %get3A_60 : vector<1x128xf32> to vector<1000x128xf32>
    %add3A_62 = arith.addf %add3A_57, %add3A_61 : vector<1000x128xf32>
    %max3A_63 = arith.constant 0.000000e+00 : f32
    %max3A_64 = vector.broadcast %max3A_63 : f32 to vector<1000x128xf32>
    %max3A_65 = arith.maximumf %add3A_62, %max3A_64 : vector<1000x128xf32>
    %get3A_66 = arith.constant 0 : index
    %get3A_67 = arith.constant 0 : index
    %get3A_68 = vector.load %arg11[%get3A_66, %get3A_67] : memref<128x16xf32, #tpu.memory_space<vmem>>, vector<128x16xf32>
    %dot_general3A_69 = arith.constant dense<0.000000e+00> : vector<1000x16xf32>
    %dot_general3A_70 = tpu.matmul %max3A_65, %get3A_68, %dot_general3A_69 {dimension_numbers = #tpu.dot_dimension_numbers<[1], [0], [0], [1], [0, 0, 1, 1], [], []>, transpose_lhs_hint = false} : vector<1000x128xf32>, vector<128x16xf32>, vector<1000x16xf32> -> vector<1000x16xf32>
    %max3A_71 = arith.constant 0.000000e+00 : f32
    %max3A_72 = vector.broadcast %max3A_71 : f32 to vector<1000x16xf32>
    %max3A_73 = arith.maximumf %dot_general3A_70, %max3A_72 : vector<1000x16xf32>
    %get3A_74 = arith.constant 0 : index
    %get3A_75 = arith.constant 0 : index
    %get3A_76 = vector.load %arg6[%get3A_74, %get3A_75] : memref<32x64xf32, #tpu.memory_space<vmem>>, vector<32x64xf32>
    %dot_general3A_77 = arith.constant dense<0.000000e+00> : vector<1000x64xf32>
    %dot_general3A_78 = tpu.matmul %reduce_sum3A_22, %get3A_76, %dot_general3A_77 {dimension_numbers = #tpu.dot_dimension_numbers<[1], [0], [0], [1], [0, 0, 1, 1], [], []>, transpose_lhs_hint = false} : vector<1000x32xf32>, vector<32x64xf32>, vector<1000x64xf32> -> vector<1000x64xf32>
    %max3A_79 = arith.constant 0.000000e+00 : f32
    %max3A_80 = vector.broadcast %max3A_79 : f32 to vector<1000x64xf32>
    %max3A_81 = arith.maximumf %dot_general3A_78, %max3A_80 : vector<1000x64xf32>
    %get3A_82 = arith.constant 0 : index
    %get3A_83 = arith.constant 0 : index
    %get3A_84 = vector.load %arg12[%get3A_82, %get3A_83] : memref<128x128xf32, #tpu.memory_space<vmem>>, vector<128x128xf32>
    %dot_general3A_85 = arith.constant dense<0.000000e+00> : vector<1000x128xf32>
    %dot_general3A_86 = tpu.matmul %add3A_40, %get3A_84, %dot_general3A_85 {dimension_numbers = #tpu.dot_dimension_numbers<[1], [0], [0], [1], [0, 0, 1, 1], [], []>, transpose_lhs_hint = false} : vector<1000x128xf32>, vector<128x128xf32>, vector<1000x128xf32> -> vector<1000x128xf32>
    %get3A_87 = arith.constant 0 : index
    %get3A_88 = arith.constant 0 : index
    %get3A_89 = vector.load %arg13[%get3A_87, %get3A_88] : memref<64x128xf32, #tpu.memory_space<vmem>>, vector<64x128xf32>
    %dot_general3A_90 = arith.constant dense<0.000000e+00> : vector<1000x128xf32>
    %dot_general3A_91 = tpu.matmul %max3A_81, %get3A_89, %dot_general3A_90 {dimension_numbers = #tpu.dot_dimension_numbers<[1], [0], [0], [1], [0, 0, 1, 1], [], []>, transpose_lhs_hint = false} : vector<1000x64xf32>, vector<64x128xf32>, vector<1000x128xf32> -> vector<1000x128xf32>
    %add3A_92 = arith.addf %dot_general3A_86, %dot_general3A_91 : vector<1000x128xf32>
    %get3A_93 = arith.constant 0 : index
    %get3A_94 = arith.constant 0 : index
    %get3A_95 = vector.load %arg14[%get3A_93, %get3A_94] : memref<1x128xf32, #tpu.memory_space<vmem>>, vector<1x128xf32>
    %add3A_96 = vector.broadcast %get3A_95 : vector<1x128xf32> to vector<1000x128xf32>
    %add3A_97 = arith.addf %add3A_92, %add3A_96 : vector<1000x128xf32>
    %max3A_98 = arith.constant 0.000000e+00 : f32
    %max3A_99 = vector.broadcast %max3A_98 : f32 to vector<1000x128xf32>
    %max3A_100 = arith.maximumf %add3A_97, %max3A_99 : vector<1000x128xf32>
    %get3A_101 = arith.constant 0 : index
    %get3A_102 = arith.constant 0 : index
    %get3A_103 = vector.load %arg15[%get3A_101, %get3A_102] : memref<128x16xf32, #tpu.memory_space<vmem>>, vector<128x16xf32>
    %dot_general3A_104 = arith.constant dense<0.000000e+00> : vector<1000x16xf32>
    %dot_general3A_105 = tpu.matmul %max3A_100, %get3A_103, %dot_general3A_104 {dimension_numbers = #tpu.dot_dimension_numbers<[1], [0], [0], [1], [0, 0, 1, 1], [], []>, transpose_lhs_hint = false} : vector<1000x128xf32>, vector<128x16xf32>, vector<1000x16xf32> -> vector<1000x16xf32>
    %max3A_106 = arith.constant 0.000000e+00 : f32
    %max3A_107 = vector.broadcast %max3A_106 : f32 to vector<1000x16xf32>
    %max3A_108 = arith.maximumf %dot_general3A_105, %max3A_107 : vector<1000x16xf32>
    %get3A_109 = arith.constant 0 : index
    %get3A_110 = arith.constant 0 : index
    %get3A_111 = vector.load %arg16[%get3A_109, %get3A_110] : memref<8x128xf32, #tpu.memory_space<vmem>>, vector<8x128xf32>
    %dot_general3A_112 = arith.constant dense<0.000000e+00> : vector<1000x128xf32>
    %dot_general3A_113 = tpu.matmul %max3A_28, %get3A_111, %dot_general3A_112 {dimension_numbers = #tpu.dot_dimension_numbers<[1], [0], [0], [1], [0, 0, 1, 1], [], []>, transpose_lhs_hint = false} : vector<1000x8xf32>, vector<8x128xf32>, vector<1000x128xf32> -> vector<1000x128xf32>
    %get3A_114 = arith.constant 0 : index
    %get3A_115 = arith.constant 0 : index
    %get3A_116 = vector.load %arg17[%get3A_114, %get3A_115] : memref<8x128xf32, #tpu.memory_space<vmem>>, vector<8x128xf32>
    %dot_general3A_117 = arith.constant dense<0.000000e+00> : vector<1000x128xf32>
    %dot_general3A_118 = tpu.matmul %max3A_33, %get3A_116, %dot_general3A_117 {dimension_numbers = #tpu.dot_dimension_numbers<[1], [0], [0], [1], [0, 0, 1, 1], [], []>, transpose_lhs_hint = false} : vector<1000x8xf32>, vector<8x128xf32>, vector<1000x128xf32> -> vector<1000x128xf32>
    %add3A_119 = arith.addf %dot_general3A_113, %dot_general3A_118 : vector<1000x128xf32>
    %get3A_120 = arith.constant 0 : index
    %get3A_121 = arith.constant 0 : index
    %get3A_122 = vector.load %arg18[%get3A_120, %get3A_121] : memref<16x128xf32, #tpu.memory_space<vmem>>, vector<16x128xf32>
    %dot_general3A_123 = arith.constant dense<0.000000e+00> : vector<1000x128xf32>
    %dot_general3A_124 = tpu.matmul %max3A_73, %get3A_122, %dot_general3A_123 {dimension_numbers = #tpu.dot_dimension_numbers<[1], [0], [0], [1], [0, 0, 1, 1], [], []>, transpose_lhs_hint = false} : vector<1000x16xf32>, vector<16x128xf32>, vector<1000x128xf32> -> vector<1000x128xf32>
    %add3A_125 = arith.addf %add3A_119, %dot_general3A_124 : vector<1000x128xf32>
    %get3A_126 = arith.constant 0 : index
    %get3A_127 = arith.constant 0 : index
    %get3A_128 = vector.load %arg19[%get3A_126, %get3A_127] : memref<64x128xf32, #tpu.memory_space<vmem>>, vector<64x128xf32>
    %dot_general3A_129 = arith.constant dense<0.000000e+00> : vector<1000x128xf32>
    %dot_general3A_130 = tpu.matmul %max3A_81, %get3A_128, %dot_general3A_129 {dimension_numbers = #tpu.dot_dimension_numbers<[1], [0], [0], [1], [0, 0, 1, 1], [], []>, transpose_lhs_hint = false} : vector<1000x64xf32>, vector<64x128xf32>, vector<1000x128xf32> -> vector<1000x128xf32>
    %add3A_131 = arith.addf %add3A_125, %dot_general3A_130 : vector<1000x128xf32>
    %get3A_132 = arith.constant 0 : index
    %get3A_133 = arith.constant 0 : index
    %get3A_134 = vector.load %arg20[%get3A_132, %get3A_133] : memref<16x128xf32, #tpu.memory_space<vmem>>, vector<16x128xf32>
    %dot_general3A_135 = arith.constant dense<0.000000e+00> : vector<1000x128xf32>
    %dot_general3A_136 = tpu.matmul %max3A_108, %get3A_134, %dot_general3A_135 {dimension_numbers = #tpu.dot_dimension_numbers<[1], [0], [0], [1], [0, 0, 1, 1], [], []>, transpose_lhs_hint = false} : vector<1000x16xf32>, vector<16x128xf32>, vector<1000x128xf32> -> vector<1000x128xf32>
    %add3A_137 = arith.addf %add3A_131, %dot_general3A_136 : vector<1000x128xf32>
    %swap3A = arith.constant 0 : index
    %swap3A_138 = arith.constant 0 : index
    %swap3A_139 = vector.load %arg21[%swap3A, %swap3A_138] : memref<1000x128xf32, #tpu.memory_space<vmem>>, vector<1000x128xf32>
    tpu.vector_store %arg21[%swap3A, %swap3A_138], %add3A_137 {strides = array<i32>} : memref<1000x128xf32, #tpu.memory_space<vmem>>, vector<1000x128xf32>,
    return
  }
  func.func @transform_0(%arg0: i32) -> (i32, i32) {
    %c0_i32 = arith.constant 0 : i32
    %c0_i32_0 = arith.constant 0 : i32
    return %arg0, %c0_i32 : i32, i32
  }
  func.func @transform_1(%arg0: i32) -> (i32, i32) {
    %add3A = arith.constant 80 : i32
    %add3A_0 = arith.addi %arg0, %add3A : i32
    %c0_i32 = arith.constant 0 : i32
    %c0_i32_1 = arith.constant 0 : i32
    return %add3A_0, %c0_i32 : i32, i32
  }
  func.func @transform_2(%arg0: i32) -> (i32, i32) {
    %c0_i32 = arith.constant 0 : i32
    %c0_i32_0 = arith.constant 0 : i32
    return %arg0, %c0_i32 : i32, i32
  }
  func.func @transform_3(%arg0: i32) -> (i32, i32) {
    %c0_i32 = arith.constant 0 : i32
    %c0_i32_0 = arith.constant 0 : i32
    return %arg0, %c0_i32 : i32, i32
  }
  func.func @transform_4(%arg0: i32) -> (i32, i32) {
    %c0_i32 = arith.constant 0 : i32
    %c0_i32_0 = arith.constant 0 : i32
    %c0_i32_1 = arith.constant 0 : i32
    return %c0_i32, %c0_i32_0 : i32, i32
  }
  func.func @transform_5(%arg0: i32) -> (i32, i32) {
    %c0_i32 = arith.constant 0 : i32
    %c0_i32_0 = arith.constant 0 : i32
    %c0_i32_1 = arith.constant 0 : i32
    return %c0_i32, %c0_i32_0 : i32, i32
  }
  func.func @transform_6(%arg0: i32) -> (i32, i32) {
    %c0_i32 = arith.constant 0 : i32
    %c0_i32_0 = arith.constant 0 : i32
    %c0_i32_1 = arith.constant 0 : i32
    return %c0_i32, %c0_i32_0 : i32, i32
  }
  func.func @transform_7(%arg0: i32) -> (i32, i32) {
    %c0_i32 = arith.constant 0 : i32
    %c0_i32_0 = arith.constant 0 : i32
    %c0_i32_1 = arith.constant 0 : i32
    return %c0_i32, %c0_i32_0 : i32, i32
  }
  func.func @transform_8(%arg0: i32) -> (i32, i32) {
    %c0_i32 = arith.constant 0 : i32
    %c0_i32_0 = arith.constant 0 : i32
    %c0_i32_1 = arith.constant 0 : i32
    return %c0_i32, %c0_i32_0 : i32, i32
  }
  func.func @transform_9(%arg0: i32) -> (i32, i32) {
    %c0_i32 = arith.constant 0 : i32
    %c0_i32_0 = arith.constant 0 : i32
    %c0_i32_1 = arith.constant 0 : i32
    return %c0_i32, %c0_i32_0 : i32, i32
  }
  func.func @transform_10(%arg0: i32) -> (i32, i32) {
    %c0_i32 = arith.constant 0 : i32
    %c0_i32_0 = arith.constant 0 : i32
    %c0_i32_1 = arith.constant 0 : i32
    return %c0_i32, %c0_i32_0 : i32, i32
  }
  func.func @transform_11(%arg0: i32) -> (i32, i32) {
    %c0_i32 = arith.constant 0 : i32
    %c0_i32_0 = arith.constant 0 : i32
    %c0_i32_1 = arith.constant 0 : i32
    return %c0_i32, %c0_i32_0 : i32, i32
  }
  func.func @transform_12(%arg0: i32) -> (i32, i32) {
    %c0_i32 = arith.constant 0 : i32
    %c0_i32_0 = arith.constant 0 : i32
    %c0_i32_1 = arith.constant 0 : i32
    return %c0_i32, %c0_i32_0 : i32, i32
  }
  func.func @transform_13(%arg0: i32) -> (i32, i32) {
    %c0_i32 = arith.constant 0 : i32
    %c0_i32_0 = arith.constant 0 : i32
    %c0_i32_1 = arith.constant 0 : i32
    return %c0_i32, %c0_i32_0 : i32, i32
  }
  func.func @transform_14(%arg0: i32) -> (i32, i32) {
    %c0_i32 = arith.constant 0 : i32
    %c0_i32_0 = arith.constant 0 : i32
    %c0_i32_1 = arith.constant 0 : i32
    return %c0_i32, %c0_i32_0 : i32, i32
  }
  func.func @transform_15(%arg0: i32) -> (i32, i32) {
    %c0_i32 = arith.constant 0 : i32
    %c0_i32_0 = arith.constant 0 : i32
    %c0_i32_1 = arith.constant 0 : i32
    return %c0_i32, %c0_i32_0 : i32, i32
  }
  func.func @transform_16(%arg0: i32) -> (i32, i32) {
    %c0_i32 = arith.constant 0 : i32
    %c0_i32_0 = arith.constant 0 : i32
    %c0_i32_1 = arith.constant 0 : i32
    return %c0_i32, %c0_i32_0 : i32, i32
  }
  func.func @transform_17(%arg0: i32) -> (i32, i32) {
    %c0_i32 = arith.constant 0 : i32
    %c0_i32_0 = arith.constant 0 : i32
    %c0_i32_1 = arith.constant 0 : i32
    return %c0_i32, %c0_i32_0 : i32, i32
  }
  func.func @transform_18(%arg0: i32) -> (i32, i32) {
    %c0_i32 = arith.constant 0 : i32
    %c0_i32_0 = arith.constant 0 : i32
    %c0_i32_1 = arith.constant 0 : i32
    return %c0_i32, %c0_i32_0 : i32, i32
  }
  func.func @transform_19(%arg0: i32) -> (i32, i32) {
    %c0_i32 = arith.constant 0 : i32
    %c0_i32_0 = arith.constant 0 : i32
    %c0_i32_1 = arith.constant 0 : i32
    return %c0_i32, %c0_i32_0 : i32, i32
  }
  func.func @transform_20(%arg0: i32) -> (i32, i32) {
    %c0_i32 = arith.constant 0 : i32
    %c0_i32_0 = arith.constant 0 : i32
    return %arg0, %c0_i32 : i32, i32
  }
}

module attributes {stable_mosaic.version = 14 : i64} {
  func.func @body(%arg0: i32, %arg1: memref<10240x16xf32, #tpu.memory_space<vmem>>, %arg2: memref<10240x16xf32, #tpu.memory_space<vmem>>, %arg3: memref<10240x16xf32, #tpu.memory_space<vmem>>, %arg4: memref<16x16xf32, #tpu.memory_space<vmem>>, %arg5: memref<16x16xf32, #tpu.memory_space<vmem>>, %arg6: memref<1x16xf32, #tpu.memory_space<vmem>>, %arg7: memref<1x16xf32, #tpu.memory_space<vmem>>, %arg8: memref<1x16xf32, #tpu.memory_space<vmem>>, %arg9: memref<16x2xf32, #tpu.memory_space<vmem>>, %arg10: memref<16x4xf32, #tpu.memory_space<vmem>>, %arg11: memref<2x4xf32, #tpu.memory_space<vmem>>, %arg12: memref<1x4xf32, #tpu.memory_space<vmem>>, %arg13: memref<1x4xf32, #tpu.memory_space<vmem>>, %arg14: memref<1x4xf32, #tpu.memory_space<vmem>>, %arg15: memref<16x16xf32, #tpu.memory_space<vmem>>, %arg16: memref<16x16xf32, #tpu.memory_space<vmem>>, %arg17: memref<1x16xf32, #tpu.memory_space<vmem>>, %arg18: memref<1x16xf32, #tpu.memory_space<vmem>>, %arg19: memref<1x16xf32, #tpu.memory_space<vmem>>, %arg20: memref<16x2xf32, #tpu.memory_space<vmem>>, %arg21: memref<16x4xf32, #tpu.memory_space<vmem>>, %arg22: memref<2x4xf32, #tpu.memory_space<vmem>>, %arg23: memref<1x4xf32, #tpu.memory_space<vmem>>, %arg24: memref<1x4xf32, #tpu.memory_space<vmem>>, %arg25: memref<1x4xf32, #tpu.memory_space<vmem>>, %arg26: memref<4x16xf32, #tpu.memory_space<vmem>>, %arg27: memref<4x16xf32, #tpu.memory_space<vmem>>, %arg28: memref<10240x16xf32, #tpu.memory_space<vmem>>) attributes {dimension_semantics = [#tpu.dimension_semantics<arbitrary>], iteration_bounds = array<i64: 1>, scalar_prefetch = 0 : i64, scratch_operands = 0 : i64, tpu.core_type = #tpu.core_type<tc>, window_params = [{transform_indices = @transform_0, window_bounds = array<i64: 10240, 16>}, {transform_indices = @transform_1, window_bounds = array<i64: 10240, 16>}, {pipeline_mode = #tpu.pipeline_mode<synchronous>, transform_indices = @transform_2, window_bounds = array<i64: 10240, 16>}, {pipeline_mode = #tpu.pipeline_mode<synchronous>, transform_indices = @transform_3, window_bounds = array<i64: 16, 16>}, {pipeline_mode = #tpu.pipeline_mode<synchronous>, transform_indices = @transform_4, window_bounds = array<i64: 16, 16>}, {pipeline_mode = #tpu.pipeline_mode<synchronous>, transform_indices = @transform_5, window_bounds = array<i64: 1, 16>}, {pipeline_mode = #tpu.pipeline_mode<synchronous>, transform_indices = @transform_6, window_bounds = array<i64: 1, 16>}, {pipeline_mode = #tpu.pipeline_mode<synchronous>, transform_indices = @transform_7, window_bounds = array<i64: 1, 16>}, {pipeline_mode = #tpu.pipeline_mode<synchronous>, transform_indices = @transform_8, window_bounds = array<i64: 16, 2>}, {pipeline_mode = #tpu.pipeline_mode<synchronous>, transform_indices = @transform_9, window_bounds = array<i64: 16, 4>}, {pipeline_mode = #tpu.pipeline_mode<synchronous>, transform_indices = @transform_10, window_bounds = array<i64: 2, 4>}, {pipeline_mode = #tpu.pipeline_mode<synchronous>, transform_indices = @transform_11, window_bounds = array<i64: 1, 4>}, {pipeline_mode = #tpu.pipeline_mode<synchronous>, transform_indices = @transform_12, window_bounds = array<i64: 1, 4>}, {pipeline_mode = #tpu.pipeline_mode<synchronous>, transform_indices = @transform_13, window_bounds = array<i64: 1, 4>}, {pipeline_mode = #tpu.pipeline_mode<synchronous>, transform_indices = @transform_14, window_bounds = array<i64: 16, 16>}, {pipeline_mode = #tpu.pipeline_mode<synchronous>, transform_indices = @transform_15, window_bounds = array<i64: 16, 16>}, {pipeline_mode = #tpu.pipeline_mode<synchronous>, transform_indices = @transform_16, window_bounds = array<i64: 1, 16>}, {pipeline_mode = #tpu.pipeline_mode<synchronous>, transform_indices = @transform_17, window_bounds = array<i64: 1, 16>}, {pipeline_mode = #tpu.pipeline_mode<synchronous>, transform_indices = @transform_18, window_bounds = array<i64: 1, 16>}, {pipeline_mode = #tpu.pipeline_mode<synchronous>, transform_indices = @transform_19, window_bounds = array<i64: 16, 2>}, {pipeline_mode = #tpu.pipeline_mode<synchronous>, transform_indices = @transform_20, window_bounds = array<i64: 16, 4>}, {pipeline_mode = #tpu.pipeline_mode<synchronous>, transform_indices = @transform_21, window_bounds = array<i64: 2, 4>}, {pipeline_mode = #tpu.pipeline_mode<synchronous>, transform_indices = @transform_22, window_bounds = array<i64: 1, 4>}, {pipeline_mode = #tpu.pipeline_mode<synchronous>, transform_indices = @transform_23, window_bounds = array<i64: 1, 4>}, {pipeline_mode = #tpu.pipeline_mode<synchronous>, transform_indices = @transform_24, window_bounds = array<i64: 1, 4>}, {pipeline_mode = #tpu.pipeline_mode<synchronous>, transform_indices = @transform_25, window_bounds = array<i64: 4, 16>}, {pipeline_mode = #tpu.pipeline_mode<synchronous>, transform_indices = @transform_26, window_bounds = array<i64: 4, 16>}, {pipeline_mode = #tpu.pipeline_mode<synchronous>, transform_indices = @transform_27, window_bounds = array<i64: 10240, 16>}]} {
    %get3A = arith.constant 0 : index
    %get3A_0 = arith.constant 0 : index
    %get3A_1 = vector.load %arg1[%get3A, %get3A_0] : memref<10240x16xf32, #tpu.memory_space<vmem>>, vector<10240x16xf32>
    %get3A_2 = arith.constant 0 : index
    %get3A_3 = arith.constant 0 : index
    %get3A_4 = vector.load %arg2[%get3A_2, %get3A_3] : memref<10240x16xf32, #tpu.memory_space<vmem>>, vector<10240x16xf32>
    %add3A = arith.addf %get3A_1, %get3A_4 : vector<10240x16xf32>
    %get3A_5 = arith.constant 0 : index
    %get3A_6 = arith.constant 0 : index
    %get3A_7 = vector.load %arg3[%get3A_5, %get3A_6] : memref<10240x16xf32, #tpu.memory_space<vmem>>, vector<10240x16xf32>
    %get3A_8 = arith.constant 0 : index
    %get3A_9 = arith.constant 0 : index
    %get3A_10 = vector.load %arg4[%get3A_8, %get3A_9] : memref<16x16xf32, #tpu.memory_space<vmem>>, vector<16x16xf32>
    %dot_general3A = arith.constant dense<0.000000e+00> : vector<10240x16xf32>
    %dot_general3A_11 = tpu.matmul %add3A, %get3A_10, %dot_general3A {dimension_numbers = #tpu.dot_dimension_numbers<[1], [0], [0], [1], [0, 0, 1, 1], [], []>, transpose_lhs_hint = false} : vector<10240x16xf32>, vector<16x16xf32>, vector<10240x16xf32> -> vector<10240x16xf32>
    %get3A_12 = arith.constant 0 : index
    %get3A_13 = arith.constant 0 : index
    %get3A_14 = vector.load %arg5[%get3A_12, %get3A_13] : memref<16x16xf32, #tpu.memory_space<vmem>>, vector<16x16xf32>
    %dot_general3A_15 = arith.constant dense<0.000000e+00> : vector<10240x16xf32>
    %dot_general3A_16 = tpu.matmul %get3A_7, %get3A_14, %dot_general3A_15 {dimension_numbers = #tpu.dot_dimension_numbers<[1], [0], [0], [1], [0, 0, 1, 1], [], []>, transpose_lhs_hint = false} : vector<10240x16xf32>, vector<16x16xf32>, vector<10240x16xf32> -> vector<10240x16xf32>
    %add3A_17 = arith.addf %dot_general3A_11, %dot_general3A_16 : vector<10240x16xf32>
    %get3A_18 = arith.constant 0 : index
    %get3A_19 = arith.constant 0 : index
    %get3A_20 = vector.load %arg6[%get3A_18, %get3A_19] : memref<1x16xf32, #tpu.memory_space<vmem>>, vector<1x16xf32>
    %add3A_21 = vector.broadcast %get3A_20 : vector<1x16xf32> to vector<10240x16xf32>
    %add3A_22 = arith.addf %add3A_17, %add3A_21 : vector<10240x16xf32>
    %max3A = arith.constant 0.000000e+00 : f32
    %max3A_23 = vector.broadcast %max3A : f32 to vector<10240x16xf32>
    %max3A_24 = arith.maximumf %add3A_22, %max3A_23 : vector<10240x16xf32>
    %get3A_25 = arith.constant 0 : index
    %get3A_26 = arith.constant 0 : index
    %get3A_27 = vector.load %arg7[%get3A_25, %get3A_26] : memref<1x16xf32, #tpu.memory_space<vmem>>, vector<1x16xf32>
    %mul3A = vector.broadcast %get3A_27 : vector<1x16xf32> to vector<10240x16xf32>
    %mul3A_28 = arith.mulf %max3A_24, %mul3A : vector<10240x16xf32>
    %get3A_29 = arith.constant 0 : index
    %get3A_30 = arith.constant 0 : index
    %get3A_31 = vector.load %arg8[%get3A_29, %get3A_30] : memref<1x16xf32, #tpu.memory_space<vmem>>, vector<1x16xf32>
    %add3A_32 = vector.broadcast %get3A_31 : vector<1x16xf32> to vector<10240x16xf32>
    %add3A_33 = arith.addf %mul3A_28, %add3A_32 : vector<10240x16xf32>
    %get3A_34 = arith.constant 0 : index
    %get3A_35 = arith.constant 0 : index
    %get3A_36 = vector.load %arg9[%get3A_34, %get3A_35] : memref<16x2xf32, #tpu.memory_space<vmem>>, vector<16x2xf32>
    %dot_general3A_37 = arith.constant dense<0.000000e+00> : vector<10240x2xf32>
    %dot_general3A_38 = tpu.matmul %add3A_33, %get3A_36, %dot_general3A_37 {dimension_numbers = #tpu.dot_dimension_numbers<[1], [0], [0], [1], [0, 0, 1, 1], [], []>, transpose_lhs_hint = false} : vector<10240x16xf32>, vector<16x2xf32>, vector<10240x2xf32> -> vector<10240x2xf32>
    %max3A_39 = arith.constant 0.000000e+00 : f32
    %max3A_40 = vector.broadcast %max3A_39 : f32 to vector<10240x2xf32>
    %max3A_41 = arith.maximumf %dot_general3A_38, %max3A_40 : vector<10240x2xf32>
    %get3A_42 = arith.constant 0 : index
    %get3A_43 = arith.constant 0 : index
    %get3A_44 = vector.load %arg10[%get3A_42, %get3A_43] : memref<16x4xf32, #tpu.memory_space<vmem>>, vector<16x4xf32>
    %dot_general3A_45 = arith.constant dense<0.000000e+00> : vector<10240x4xf32>
    %dot_general3A_46 = tpu.matmul %add3A, %get3A_44, %dot_general3A_45 {dimension_numbers = #tpu.dot_dimension_numbers<[1], [0], [0], [1], [0, 0, 1, 1], [], []>, transpose_lhs_hint = false} : vector<10240x16xf32>, vector<16x4xf32>, vector<10240x4xf32> -> vector<10240x4xf32>
    %get3A_47 = arith.constant 0 : index
    %get3A_48 = arith.constant 0 : index
    %get3A_49 = vector.load %arg11[%get3A_47, %get3A_48] : memref<2x4xf32, #tpu.memory_space<vmem>>, vector<2x4xf32>
    %dot_general3A_50 = arith.constant dense<0.000000e+00> : vector<10240x4xf32>
    %dot_general3A_51 = tpu.matmul %max3A_41, %get3A_49, %dot_general3A_50 {dimension_numbers = #tpu.dot_dimension_numbers<[1], [0], [0], [1], [0, 0, 1, 1], [], []>, transpose_lhs_hint = false} : vector<10240x2xf32>, vector<2x4xf32>, vector<10240x4xf32> -> vector<10240x4xf32>
    %add3A_52 = arith.addf %dot_general3A_46, %dot_general3A_51 : vector<10240x4xf32>
    %get3A_53 = arith.constant 0 : index
    %get3A_54 = arith.constant 0 : index
    %get3A_55 = vector.load %arg12[%get3A_53, %get3A_54] : memref<1x4xf32, #tpu.memory_space<vmem>>, vector<1x4xf32>
    %add3A_56 = vector.broadcast %get3A_55 : vector<1x4xf32> to vector<10240x4xf32>
    %add3A_57 = arith.addf %add3A_52, %add3A_56 : vector<10240x4xf32>
    %max3A_58 = arith.constant 0.000000e+00 : f32
    %max3A_59 = vector.broadcast %max3A_58 : f32 to vector<10240x4xf32>
    %max3A_60 = arith.maximumf %add3A_57, %max3A_59 : vector<10240x4xf32>
    %get3A_61 = arith.constant 0 : index
    %get3A_62 = arith.constant 0 : index
    %get3A_63 = vector.load %arg13[%get3A_61, %get3A_62] : memref<1x4xf32, #tpu.memory_space<vmem>>, vector<1x4xf32>
    %mul3A_64 = vector.broadcast %get3A_63 : vector<1x4xf32> to vector<10240x4xf32>
    %mul3A_65 = arith.mulf %max3A_60, %mul3A_64 : vector<10240x4xf32>
    %get3A_66 = arith.constant 0 : index
    %get3A_67 = arith.constant 0 : index
    %get3A_68 = vector.load %arg14[%get3A_66, %get3A_67] : memref<1x4xf32, #tpu.memory_space<vmem>>, vector<1x4xf32>
    %add3A_69 = vector.broadcast %get3A_68 : vector<1x4xf32> to vector<10240x4xf32>
    %add3A_70 = arith.addf %mul3A_65, %add3A_69 : vector<10240x4xf32>
    %get3A_71 = arith.constant 0 : index
    %get3A_72 = arith.constant 0 : index
    %get3A_73 = vector.load %arg15[%get3A_71, %get3A_72] : memref<16x16xf32, #tpu.memory_space<vmem>>, vector<16x16xf32>
    %dot_general3A_74 = arith.constant dense<0.000000e+00> : vector<10240x16xf32>
    %dot_general3A_75 = tpu.matmul %add3A, %get3A_73, %dot_general3A_74 {dimension_numbers = #tpu.dot_dimension_numbers<[1], [0], [0], [1], [0, 0, 1, 1], [], []>, transpose_lhs_hint = false} : vector<10240x16xf32>, vector<16x16xf32>, vector<10240x16xf32> -> vector<10240x16xf32>
    %get3A_76 = arith.constant 0 : index
    %get3A_77 = arith.constant 0 : index
    %get3A_78 = vector.load %arg16[%get3A_76, %get3A_77] : memref<16x16xf32, #tpu.memory_space<vmem>>, vector<16x16xf32>
    %dot_general3A_79 = arith.constant dense<0.000000e+00> : vector<10240x16xf32>
    %dot_general3A_80 = tpu.matmul %get3A_7, %get3A_78, %dot_general3A_79 {dimension_numbers = #tpu.dot_dimension_numbers<[1], [0], [0], [1], [0, 0, 1, 1], [], []>, transpose_lhs_hint = false} : vector<10240x16xf32>, vector<16x16xf32>, vector<10240x16xf32> -> vector<10240x16xf32>
    %add3A_81 = arith.addf %dot_general3A_75, %dot_general3A_80 : vector<10240x16xf32>
    %get3A_82 = arith.constant 0 : index
    %get3A_83 = arith.constant 0 : index
    %get3A_84 = vector.load %arg17[%get3A_82, %get3A_83] : memref<1x16xf32, #tpu.memory_space<vmem>>, vector<1x16xf32>
    %add3A_85 = vector.broadcast %get3A_84 : vector<1x16xf32> to vector<10240x16xf32>
    %add3A_86 = arith.addf %add3A_81, %add3A_85 : vector<10240x16xf32>
    %max3A_87 = arith.constant 0.000000e+00 : f32
    %max3A_88 = vector.broadcast %max3A_87 : f32 to vector<10240x16xf32>
    %max3A_89 = arith.maximumf %add3A_86, %max3A_88 : vector<10240x16xf32>
    %get3A_90 = arith.constant 0 : index
    %get3A_91 = arith.constant 0 : index
    %get3A_92 = vector.load %arg18[%get3A_90, %get3A_91] : memref<1x16xf32, #tpu.memory_space<vmem>>, vector<1x16xf32>
    %mul3A_93 = vector.broadcast %get3A_92 : vector<1x16xf32> to vector<10240x16xf32>
    %mul3A_94 = arith.mulf %max3A_89, %mul3A_93 : vector<10240x16xf32>
    %get3A_95 = arith.constant 0 : index
    %get3A_96 = arith.constant 0 : index
    %get3A_97 = vector.load %arg19[%get3A_95, %get3A_96] : memref<1x16xf32, #tpu.memory_space<vmem>>, vector<1x16xf32>
    %add3A_98 = vector.broadcast %get3A_97 : vector<1x16xf32> to vector<10240x16xf32>
    %add3A_99 = arith.addf %mul3A_94, %add3A_98 : vector<10240x16xf32>
    %get3A_100 = arith.constant 0 : index
    %get3A_101 = arith.constant 0 : index
    %get3A_102 = vector.load %arg20[%get3A_100, %get3A_101] : memref<16x2xf32, #tpu.memory_space<vmem>>, vector<16x2xf32>
    %dot_general3A_103 = arith.constant dense<0.000000e+00> : vector<10240x2xf32>
    %dot_general3A_104 = tpu.matmul %add3A_99, %get3A_102, %dot_general3A_103 {dimension_numbers = #tpu.dot_dimension_numbers<[1], [0], [0], [1], [0, 0, 1, 1], [], []>, transpose_lhs_hint = false} : vector<10240x16xf32>, vector<16x2xf32>, vector<10240x2xf32> -> vector<10240x2xf32>
    %max3A_105 = arith.constant 0.000000e+00 : f32
    %max3A_106 = vector.broadcast %max3A_105 : f32 to vector<10240x2xf32>
    %max3A_107 = arith.maximumf %dot_general3A_104, %max3A_106 : vector<10240x2xf32>
    %get3A_108 = arith.constant 0 : index
    %get3A_109 = arith.constant 0 : index
    %get3A_110 = vector.load %arg21[%get3A_108, %get3A_109] : memref<16x4xf32, #tpu.memory_space<vmem>>, vector<16x4xf32>
    %dot_general3A_111 = arith.constant dense<0.000000e+00> : vector<10240x4xf32>
    %dot_general3A_112 = tpu.matmul %add3A, %get3A_110, %dot_general3A_111 {dimension_numbers = #tpu.dot_dimension_numbers<[1], [0], [0], [1], [0, 0, 1, 1], [], []>, transpose_lhs_hint = false} : vector<10240x16xf32>, vector<16x4xf32>, vector<10240x4xf32> -> vector<10240x4xf32>
    %get3A_113 = arith.constant 0 : index
    %get3A_114 = arith.constant 0 : index
    %get3A_115 = vector.load %arg22[%get3A_113, %get3A_114] : memref<2x4xf32, #tpu.memory_space<vmem>>, vector<2x4xf32>
    %dot_general3A_116 = arith.constant dense<0.000000e+00> : vector<10240x4xf32>
    %dot_general3A_117 = tpu.matmul %max3A_107, %get3A_115, %dot_general3A_116 {dimension_numbers = #tpu.dot_dimension_numbers<[1], [0], [0], [1], [0, 0, 1, 1], [], []>, transpose_lhs_hint = false} : vector<10240x2xf32>, vector<2x4xf32>, vector<10240x4xf32> -> vector<10240x4xf32>
    %add3A_118 = arith.addf %dot_general3A_112, %dot_general3A_117 : vector<10240x4xf32>
    %get3A_119 = arith.constant 0 : index
    %get3A_120 = arith.constant 0 : index
    %get3A_121 = vector.load %arg23[%get3A_119, %get3A_120] : memref<1x4xf32, #tpu.memory_space<vmem>>, vector<1x4xf32>
    %add3A_122 = vector.broadcast %get3A_121 : vector<1x4xf32> to vector<10240x4xf32>
    %add3A_123 = arith.addf %add3A_118, %add3A_122 : vector<10240x4xf32>
    %max3A_124 = arith.constant 0.000000e+00 : f32
    %max3A_125 = vector.broadcast %max3A_124 : f32 to vector<10240x4xf32>
    %max3A_126 = arith.maximumf %add3A_123, %max3A_125 : vector<10240x4xf32>
    %get3A_127 = arith.constant 0 : index
    %get3A_128 = arith.constant 0 : index
    %get3A_129 = vector.load %arg24[%get3A_127, %get3A_128] : memref<1x4xf32, #tpu.memory_space<vmem>>, vector<1x4xf32>
    %mul3A_130 = vector.broadcast %get3A_129 : vector<1x4xf32> to vector<10240x4xf32>
    %mul3A_131 = arith.mulf %max3A_126, %mul3A_130 : vector<10240x4xf32>
    %get3A_132 = arith.constant 0 : index
    %get3A_133 = arith.constant 0 : index
    %get3A_134 = vector.load %arg25[%get3A_132, %get3A_133] : memref<1x4xf32, #tpu.memory_space<vmem>>, vector<1x4xf32>
    %add3A_135 = vector.broadcast %get3A_134 : vector<1x4xf32> to vector<10240x4xf32>
    %add3A_136 = arith.addf %mul3A_131, %add3A_135 : vector<10240x4xf32>
    %get3A_137 = arith.constant 0 : index
    %get3A_138 = arith.constant 0 : index
    %get3A_139 = vector.load %arg26[%get3A_137, %get3A_138] : memref<4x16xf32, #tpu.memory_space<vmem>>, vector<4x16xf32>
    %dot_general3A_140 = arith.constant dense<0.000000e+00> : vector<10240x16xf32>
    %dot_general3A_141 = tpu.matmul %add3A_70, %get3A_139, %dot_general3A_140 {dimension_numbers = #tpu.dot_dimension_numbers<[1], [0], [0], [1], [0, 0, 1, 1], [], []>, transpose_lhs_hint = false} : vector<10240x4xf32>, vector<4x16xf32>, vector<10240x16xf32> -> vector<10240x16xf32>
    %get3A_142 = arith.constant 0 : index
    %get3A_143 = arith.constant 0 : index
    %get3A_144 = vector.load %arg27[%get3A_142, %get3A_143] : memref<4x16xf32, #tpu.memory_space<vmem>>, vector<4x16xf32>
    %dot_general3A_145 = arith.constant dense<0.000000e+00> : vector<10240x16xf32>
    %dot_general3A_146 = tpu.matmul %add3A_136, %get3A_144, %dot_general3A_145 {dimension_numbers = #tpu.dot_dimension_numbers<[1], [0], [0], [1], [0, 0, 1, 1], [], []>, transpose_lhs_hint = false} : vector<10240x4xf32>, vector<4x16xf32>, vector<10240x16xf32> -> vector<10240x16xf32>
    %add3A_147 = arith.addf %dot_general3A_141, %dot_general3A_146 : vector<10240x16xf32>
    %swap3A = arith.constant 0 : index
    %swap3A_148 = arith.constant 0 : index
    %swap3A_149 = vector.load %arg28[%swap3A, %swap3A_148] : memref<10240x16xf32, #tpu.memory_space<vmem>>, vector<10240x16xf32>
    tpu.vector_store %arg28[%swap3A, %swap3A_148], %add3A_147 {strides = array<i32>} : memref<10240x16xf32, #tpu.memory_space<vmem>>, vector<10240x16xf32>,
    return
  }
  func.func @transform_0(%arg0: i32) -> (i32, i32) {
    %c0_i32 = arith.constant 0 : i32
    %c0_i32_0 = arith.constant 0 : i32
    %c0_i32_1 = arith.constant 0 : i32
    return %c0_i32, %c0_i32_0 : i32, i32
  }
  func.func @transform_1(%arg0: i32) -> (i32, i32) {
    %c1_i32 = arith.constant 1 : i32
    %c0_i32 = arith.constant 0 : i32
    %c0_i32_0 = arith.constant 0 : i32
    return %c1_i32, %c0_i32 : i32, i32
  }
  func.func @transform_2(%arg0: i32) -> (i32, i32) {
    %c0_i32 = arith.constant 0 : i32
    %c0_i32_0 = arith.constant 0 : i32
    %c0_i32_1 = arith.constant 0 : i32
    return %c0_i32, %c0_i32_0 : i32, i32
  }
  func.func @transform_3(%arg0: i32) -> (i32, i32) {
    %c0_i32 = arith.constant 0 : i32
    %c0_i32_0 = arith.constant 0 : i32
    %c0_i32_1 = arith.constant 0 : i32
    return %c0_i32, %c0_i32_0 : i32, i32
  }
  func.func @transform_4(%arg0: i32) -> (i32, i32) {
    %c0_i32 = arith.constant 0 : i32
    %c0_i32_0 = arith.constant 0 : i32
    %c0_i32_1 = arith.constant 0 : i32
    return %c0_i32, %c0_i32_0 : i32, i32
  }
  func.func @transform_5(%arg0: i32) -> (i32, i32) {
    %c0_i32 = arith.constant 0 : i32
    %c0_i32_0 = arith.constant 0 : i32
    %c0_i32_1 = arith.constant 0 : i32
    return %c0_i32, %c0_i32_0 : i32, i32
  }
  func.func @transform_6(%arg0: i32) -> (i32, i32) {
    %c0_i32 = arith.constant 0 : i32
    %c0_i32_0 = arith.constant 0 : i32
    %c0_i32_1 = arith.constant 0 : i32
    return %c0_i32, %c0_i32_0 : i32, i32
  }
  func.func @transform_7(%arg0: i32) -> (i32, i32) {
    %c0_i32 = arith.constant 0 : i32
    %c0_i32_0 = arith.constant 0 : i32
    %c0_i32_1 = arith.constant 0 : i32
    return %c0_i32, %c0_i32_0 : i32, i32
  }
  func.func @transform_8(%arg0: i32) -> (i32, i32) {
    %c0_i32 = arith.constant 0 : i32
    %c0_i32_0 = arith.constant 0 : i32
    %c0_i32_1 = arith.constant 0 : i32
    return %c0_i32, %c0_i32_0 : i32, i32
  }
  func.func @transform_9(%arg0: i32) -> (i32, i32) {
    %c0_i32 = arith.constant 0 : i32
    %c0_i32_0 = arith.constant 0 : i32
    %c0_i32_1 = arith.constant 0 : i32
    return %c0_i32, %c0_i32_0 : i32, i32
  }
  func.func @transform_10(%arg0: i32) -> (i32, i32) {
    %c0_i32 = arith.constant 0 : i32
    %c0_i32_0 = arith.constant 0 : i32
    %c0_i32_1 = arith.constant 0 : i32
    return %c0_i32, %c0_i32_0 : i32, i32
  }
  func.func @transform_11(%arg0: i32) -> (i32, i32) {
    %c0_i32 = arith.constant 0 : i32
    %c0_i32_0 = arith.constant 0 : i32
    %c0_i32_1 = arith.constant 0 : i32
    return %c0_i32, %c0_i32_0 : i32, i32
  }
  func.func @transform_12(%arg0: i32) -> (i32, i32) {
    %c0_i32 = arith.constant 0 : i32
    %c0_i32_0 = arith.constant 0 : i32
    %c0_i32_1 = arith.constant 0 : i32
    return %c0_i32, %c0_i32_0 : i32, i32
  }
  func.func @transform_13(%arg0: i32) -> (i32, i32) {
    %c0_i32 = arith.constant 0 : i32
    %c0_i32_0 = arith.constant 0 : i32
    %c0_i32_1 = arith.constant 0 : i32
    return %c0_i32, %c0_i32_0 : i32, i32
  }
  func.func @transform_14(%arg0: i32) -> (i32, i32) {
    %c0_i32 = arith.constant 0 : i32
    %c0_i32_0 = arith.constant 0 : i32
    %c0_i32_1 = arith.constant 0 : i32
    return %c0_i32, %c0_i32_0 : i32, i32
  }
  func.func @transform_15(%arg0: i32) -> (i32, i32) {
    %c0_i32 = arith.constant 0 : i32
    %c0_i32_0 = arith.constant 0 : i32
    %c0_i32_1 = arith.constant 0 : i32
    return %c0_i32, %c0_i32_0 : i32, i32
  }
  func.func @transform_16(%arg0: i32) -> (i32, i32) {
    %c0_i32 = arith.constant 0 : i32
    %c0_i32_0 = arith.constant 0 : i32
    %c0_i32_1 = arith.constant 0 : i32
    return %c0_i32, %c0_i32_0 : i32, i32
  }
  func.func @transform_17(%arg0: i32) -> (i32, i32) {
    %c0_i32 = arith.constant 0 : i32
    %c0_i32_0 = arith.constant 0 : i32
    %c0_i32_1 = arith.constant 0 : i32
    return %c0_i32, %c0_i32_0 : i32, i32
  }
  func.func @transform_18(%arg0: i32) -> (i32, i32) {
    %c0_i32 = arith.constant 0 : i32
    %c0_i32_0 = arith.constant 0 : i32
    %c0_i32_1 = arith.constant 0 : i32
    return %c0_i32, %c0_i32_0 : i32, i32
  }
  func.func @transform_19(%arg0: i32) -> (i32, i32) {
    %c0_i32 = arith.constant 0 : i32
    %c0_i32_0 = arith.constant 0 : i32
    %c0_i32_1 = arith.constant 0 : i32
    return %c0_i32, %c0_i32_0 : i32, i32
  }
  func.func @transform_20(%arg0: i32) -> (i32, i32) {
    %c0_i32 = arith.constant 0 : i32
    %c0_i32_0 = arith.constant 0 : i32
    %c0_i32_1 = arith.constant 0 : i32
    return %c0_i32, %c0_i32_0 : i32, i32
  }
  func.func @transform_21(%arg0: i32) -> (i32, i32) {
    %c0_i32 = arith.constant 0 : i32
    %c0_i32_0 = arith.constant 0 : i32
    %c0_i32_1 = arith.constant 0 : i32
    return %c0_i32, %c0_i32_0 : i32, i32
  }
  func.func @transform_22(%arg0: i32) -> (i32, i32) {
    %c0_i32 = arith.constant 0 : i32
    %c0_i32_0 = arith.constant 0 : i32
    %c0_i32_1 = arith.constant 0 : i32
    return %c0_i32, %c0_i32_0 : i32, i32
  }
  func.func @transform_23(%arg0: i32) -> (i32, i32) {
    %c0_i32 = arith.constant 0 : i32
    %c0_i32_0 = arith.constant 0 : i32
    %c0_i32_1 = arith.constant 0 : i32
    return %c0_i32, %c0_i32_0 : i32, i32
  }
  func.func @transform_24(%arg0: i32) -> (i32, i32) {
    %c0_i32 = arith.constant 0 : i32
    %c0_i32_0 = arith.constant 0 : i32
    %c0_i32_1 = arith.constant 0 : i32
    return %c0_i32, %c0_i32_0 : i32, i32
  }
  func.func @transform_25(%arg0: i32) -> (i32, i32) {
    %c0_i32 = arith.constant 0 : i32
    %c0_i32_0 = arith.constant 0 : i32
    %c0_i32_1 = arith.constant 0 : i32
    return %c0_i32, %c0_i32_0 : i32, i32
  }
  func.func @transform_26(%arg0: i32) -> (i32, i32) {
    %c0_i32 = arith.constant 0 : i32
    %c0_i32_0 = arith.constant 0 : i32
    %c0_i32_1 = arith.constant 0 : i32
    return %c0_i32, %c0_i32_0 : i32, i32
  }
  func.func @transform_27(%arg0: i32) -> (i32, i32) {
    %c0_i32 = arith.constant 0 : i32
    %c0_i32_0 = arith.constant 0 : i32
    %c0_i32_1 = arith.constant 0 : i32
    return %c0_i32, %c0_i32_0 : i32, i32
  }
}

module attributes {stable_mosaic.version = 14 : i64} {
  func.func @body(%arg0: i32, %arg1: memref<2000x128xf32, #tpu.memory_space<vmem>>, %arg2: memref<2000x128xf32, #tpu.memory_space<vmem>>, %arg3: memref<128x512xf32, #tpu.memory_space<vmem>>, %arg4: memref<1x512xf32, #tpu.memory_space<vmem>>, %arg5: memref<512x1024xf32, #tpu.memory_space<vmem>>, %arg6: memref<1x1024xf32, #tpu.memory_space<vmem>>, %arg7: memref<1024x256xf32, #tpu.memory_space<vmem>>, %arg8: memref<1x256xf32, #tpu.memory_space<vmem>>, %arg9: memref<256x8xf32, #tpu.memory_space<vmem>>, %arg10: memref<1x8xf32, #tpu.memory_space<vmem>>, %arg11: memref<2000x8xf32, #tpu.memory_space<vmem>>) attributes {dimension_semantics = [#tpu.dimension_semantics<arbitrary>], iteration_bounds = array<i64: 20>, scalar_prefetch = 0 : i64, scratch_operands = 0 : i64, tpu.core_type = #tpu.core_type<tc>, window_params = [{transform_indices = @transform_0, window_bounds = array<i64: 2000, 128>}, {transform_indices = @transform_1, window_bounds = array<i64: 2000, 128>}, {pipeline_mode = #tpu.pipeline_mode<synchronous>, transform_indices = @transform_2, window_bounds = array<i64: 128, 512>}, {pipeline_mode = #tpu.pipeline_mode<synchronous>, transform_indices = @transform_3, window_bounds = array<i64: 1, 512>}, {pipeline_mode = #tpu.pipeline_mode<synchronous>, transform_indices = @transform_4, window_bounds = array<i64: 512, 1024>}, {pipeline_mode = #tpu.pipeline_mode<synchronous>, transform_indices = @transform_5, window_bounds = array<i64: 1, 1024>}, {pipeline_mode = #tpu.pipeline_mode<synchronous>, transform_indices = @transform_6, window_bounds = array<i64: 1024, 256>}, {pipeline_mode = #tpu.pipeline_mode<synchronous>, transform_indices = @transform_7, window_bounds = array<i64: 1, 256>}, {pipeline_mode = #tpu.pipeline_mode<synchronous>, transform_indices = @transform_8, window_bounds = array<i64: 256, 8>}, {pipeline_mode = #tpu.pipeline_mode<synchronous>, transform_indices = @transform_9, window_bounds = array<i64: 1, 8>}, {transform_indices = @transform_10, window_bounds = array<i64: 2000, 8>}]} {
    %get3A = arith.constant 0 : index
    %get3A_0 = arith.constant 0 : index
    %get3A_1 = vector.load %arg1[%get3A, %get3A_0] : memref<2000x128xf32, #tpu.memory_space<vmem>>, vector<2000x128xf32>
    %get3A_2 = arith.constant 0 : index
    %get3A_3 = arith.constant 0 : index
    %get3A_4 = vector.load %arg2[%get3A_2, %get3A_3] : memref<2000x128xf32, #tpu.memory_space<vmem>>, vector<2000x128xf32>
    %mul3A = arith.mulf %get3A_1, %get3A_4 : vector<2000x128xf32>
    %get3A_5 = arith.constant 0 : index
    %get3A_6 = arith.constant 0 : index
    %get3A_7 = vector.load %arg3[%get3A_5, %get3A_6] : memref<128x512xf32, #tpu.memory_space<vmem>>, vector<128x512xf32>
    %dot_general3A = arith.constant dense<0.000000e+00> : vector<2000x512xf32>
    %dot_general3A_8 = tpu.matmul %mul3A, %get3A_7, %dot_general3A {dimension_numbers = #tpu.dot_dimension_numbers<[1], [0], [0], [1], [0, 0, 1, 1], [], []>, transpose_lhs_hint = false} : vector<2000x128xf32>, vector<128x512xf32>, vector<2000x512xf32> -> vector<2000x512xf32>
    %get3A_9 = arith.constant 0 : index
    %get3A_10 = arith.constant 0 : index
    %get3A_11 = vector.load %arg4[%get3A_9, %get3A_10] : memref<1x512xf32, #tpu.memory_space<vmem>>, vector<1x512xf32>
    %add3A = vector.broadcast %get3A_11 : vector<1x512xf32> to vector<2000x512xf32>
    %add3A_12 = arith.addf %dot_general3A_8, %add3A : vector<2000x512xf32>
    %max3A = arith.constant 0.000000e+00 : f32
    %max3A_13 = vector.broadcast %max3A : f32 to vector<2000x512xf32>
    %max3A_14 = arith.maximumf %add3A_12, %max3A_13 : vector<2000x512xf32>
    %get3A_15 = arith.constant 0 : index
    %get3A_16 = arith.constant 0 : index
    %get3A_17 = vector.load %arg5[%get3A_15, %get3A_16] : memref<512x1024xf32, #tpu.memory_space<vmem>>, vector<512x1024xf32>
    %dot_general3A_18 = arith.constant dense<0.000000e+00> : vector<2000x1024xf32>
    %dot_general3A_19 = tpu.matmul %max3A_14, %get3A_17, %dot_general3A_18 {dimension_numbers = #tpu.dot_dimension_numbers<[1], [0], [0], [1], [0, 0, 1, 1], [], []>, transpose_lhs_hint = false} : vector<2000x512xf32>, vector<512x1024xf32>, vector<2000x1024xf32> -> vector<2000x1024xf32>
    %get3A_20 = arith.constant 0 : index
    %get3A_21 = arith.constant 0 : index
    %get3A_22 = vector.load %arg6[%get3A_20, %get3A_21] : memref<1x1024xf32, #tpu.memory_space<vmem>>, vector<1x1024xf32>
    %add3A_23 = vector.broadcast %get3A_22 : vector<1x1024xf32> to vector<2000x1024xf32>
    %add3A_24 = arith.addf %dot_general3A_19, %add3A_23 : vector<2000x1024xf32>
    %max3A_25 = arith.constant 0.000000e+00 : f32
    %max3A_26 = vector.broadcast %max3A_25 : f32 to vector<2000x1024xf32>
    %max3A_27 = arith.maximumf %add3A_24, %max3A_26 : vector<2000x1024xf32>
    %get3A_28 = arith.constant 0 : index
    %get3A_29 = arith.constant 0 : index
    %get3A_30 = vector.load %arg7[%get3A_28, %get3A_29] : memref<1024x256xf32, #tpu.memory_space<vmem>>, vector<1024x256xf32>
    %dot_general3A_31 = arith.constant dense<0.000000e+00> : vector<2000x256xf32>
    %dot_general3A_32 = tpu.matmul %max3A_27, %get3A_30, %dot_general3A_31 {dimension_numbers = #tpu.dot_dimension_numbers<[1], [0], [0], [1], [0, 0, 1, 1], [], []>, transpose_lhs_hint = false} : vector<2000x1024xf32>, vector<1024x256xf32>, vector<2000x256xf32> -> vector<2000x256xf32>
    %get3A_33 = arith.constant 0 : index
    %get3A_34 = arith.constant 0 : index
    %get3A_35 = vector.load %arg8[%get3A_33, %get3A_34] : memref<1x256xf32, #tpu.memory_space<vmem>>, vector<1x256xf32>
    %add3A_36 = vector.broadcast %get3A_35 : vector<1x256xf32> to vector<2000x256xf32>
    %add3A_37 = arith.addf %dot_general3A_32, %add3A_36 : vector<2000x256xf32>
    %max3A_38 = arith.constant 0.000000e+00 : f32
    %max3A_39 = vector.broadcast %max3A_38 : f32 to vector<2000x256xf32>
    %max3A_40 = arith.maximumf %add3A_37, %max3A_39 : vector<2000x256xf32>
    %get3A_41 = arith.constant 0 : index
    %get3A_42 = arith.constant 0 : index
    %get3A_43 = vector.load %arg9[%get3A_41, %get3A_42] : memref<256x8xf32, #tpu.memory_space<vmem>>, vector<256x8xf32>
    %dot_general3A_44 = arith.constant dense<0.000000e+00> : vector<2000x8xf32>
    %dot_general3A_45 = tpu.matmul %max3A_40, %get3A_43, %dot_general3A_44 {dimension_numbers = #tpu.dot_dimension_numbers<[1], [0], [0], [1], [0, 0, 1, 1], [], []>, transpose_lhs_hint = false} : vector<2000x256xf32>, vector<256x8xf32>, vector<2000x8xf32> -> vector<2000x8xf32>
    %get3A_46 = arith.constant 0 : index
    %get3A_47 = arith.constant 0 : index
    %get3A_48 = vector.load %arg10[%get3A_46, %get3A_47] : memref<1x8xf32, #tpu.memory_space<vmem>>, vector<1x8xf32>
    %add3A_49 = vector.broadcast %get3A_48 : vector<1x8xf32> to vector<2000x8xf32>
    %add3A_50 = arith.addf %dot_general3A_45, %add3A_49 : vector<2000x8xf32>
    %neg3A = arith.constant 0.000000e+00 : f32
    %neg3A_51 = vector.broadcast %neg3A : f32 to vector<2000x8xf32>
    %neg3A_52 = arith.subf %neg3A_51, %add3A_50 : vector<2000x8xf32>
    %exp3A = math.exp %neg3A_52 : vector<2000x8xf32>
    %add3A_53 = arith.constant 1.000000e+00 : f32
    %add3A_54 = vector.broadcast %add3A_53 : f32 to vector<2000x8xf32>
    %add3A_55 = arith.addf %add3A_54, %exp3A : vector<2000x8xf32>
    %div3A = arith.constant 1.000000e+00 : f32
    %div3A_56 = vector.broadcast %div3A : f32 to vector<2000x8xf32>
    %div3A_57 = arith.divf %div3A_56, %add3A_55 : vector<2000x8xf32>
    %swap3A = arith.constant 0 : index
    %swap3A_58 = arith.constant 0 : index
    %swap3A_59 = vector.load %arg11[%swap3A, %swap3A_58] : memref<2000x8xf32, #tpu.memory_space<vmem>>, vector<2000x8xf32>
    tpu.vector_store %arg11[%swap3A, %swap3A_58], %div3A_57 {strides = array<i32>} : memref<2000x8xf32, #tpu.memory_space<vmem>>, vector<2000x8xf32>,
    return
  }
  func.func @transform_0(%arg0: i32) -> (i32, i32) {
    %c0_i32 = arith.constant 0 : i32
    %c0_i32_0 = arith.constant 0 : i32
    return %arg0, %c0_i32 : i32, i32
  }
  func.func @transform_1(%arg0: i32) -> (i32, i32) {
    %add3A = arith.constant 20 : i32
    %add3A_0 = arith.addi %arg0, %add3A : i32
    %c0_i32 = arith.constant 0 : i32
    %c0_i32_1 = arith.constant 0 : i32
    return %add3A_0, %c0_i32 : i32, i32
  }
  func.func @transform_2(%arg0: i32) -> (i32, i32) {
    %c0_i32 = arith.constant 0 : i32
    %c0_i32_0 = arith.constant 0 : i32
    %c0_i32_1 = arith.constant 0 : i32
    return %c0_i32, %c0_i32_0 : i32, i32
  }
  func.func @transform_3(%arg0: i32) -> (i32, i32) {
    %c0_i32 = arith.constant 0 : i32
    %c0_i32_0 = arith.constant 0 : i32
    %c0_i32_1 = arith.constant 0 : i32
    return %c0_i32, %c0_i32_0 : i32, i32
  }
  func.func @transform_4(%arg0: i32) -> (i32, i32) {
    %c0_i32 = arith.constant 0 : i32
    %c0_i32_0 = arith.constant 0 : i32
    %c0_i32_1 = arith.constant 0 : i32
    return %c0_i32, %c0_i32_0 : i32, i32
  }
  func.func @transform_5(%arg0: i32) -> (i32, i32) {
    %c0_i32 = arith.constant 0 : i32
    %c0_i32_0 = arith.constant 0 : i32
    %c0_i32_1 = arith.constant 0 : i32
    return %c0_i32, %c0_i32_0 : i32, i32
  }
  func.func @transform_6(%arg0: i32) -> (i32, i32) {
    %c0_i32 = arith.constant 0 : i32
    %c0_i32_0 = arith.constant 0 : i32
    %c0_i32_1 = arith.constant 0 : i32
    return %c0_i32, %c0_i32_0 : i32, i32
  }
  func.func @transform_7(%arg0: i32) -> (i32, i32) {
    %c0_i32 = arith.constant 0 : i32
    %c0_i32_0 = arith.constant 0 : i32
    %c0_i32_1 = arith.constant 0 : i32
    return %c0_i32, %c0_i32_0 : i32, i32
  }
  func.func @transform_8(%arg0: i32) -> (i32, i32) {
    %c0_i32 = arith.constant 0 : i32
    %c0_i32_0 = arith.constant 0 : i32
    %c0_i32_1 = arith.constant 0 : i32
    return %c0_i32, %c0_i32_0 : i32, i32
  }
  func.func @transform_9(%arg0: i32) -> (i32, i32) {
    %c0_i32 = arith.constant 0 : i32
    %c0_i32_0 = arith.constant 0 : i32
    %c0_i32_1 = arith.constant 0 : i32
    return %c0_i32, %c0_i32_0 : i32, i32
  }
  func.func @transform_10(%arg0: i32) -> (i32, i32) {
    %c0_i32 = arith.constant 0 : i32
    %c0_i32_0 = arith.constant 0 : i32
    return %arg0, %c0_i32 : i32, i32
  }
}

</mosaic_0001>

<sc_bundles>
// kernel: kernel.11.cloned.1.call-start
scs
__scs_entry_jumppad:
0x0: {  	(pc) =	sbr.rel $0x88, $3  }
0x1: {  	(tag) =	ssettag $0x0;
	lr =	simm.s32 $0x1  }
0x2: {  	[smem:$0x3F78] =	sst lr;
	_ =	strace $0xD0000000  }
0x3: {  	_ = 	snop  }
0x4: {  	_ = 	snop  }
0x5: {  	_ = 	snop  }
0x6: {  	_ = 	snop  }
0x7: {  	_ = 	snop  }
__scs_overlays_trampoline_lowered:
0x8: {  	[smem:$0x3F87] =	sst s0  }
0x9: {  	[smem:$0x3F88] =	sst s1  }
0xa: {  	[smem:$0x3F89] =	sst s2  }
0xb: {  	[smem:$0x3F8A] =	sst s3  }
0xc: {  	[smem:$0x3F8B] =	sst s4  }
0xd: {  	[smem:$0x3F8C] =	sst s5  }
0xe: {  	[smem:$0x3F8D] =	sst s6  }
0xf: {  	[smem:$0x3F8E] =	sst s7  }
0x10: {  	[smem:$0x3F8F] =	sst s8  }
0x11: {  	[smem:$0x3F90] =	sst s9;
	s0 =	simm.s32 @!p0 $0x0  }
0x12: {  	s1 =	sld [smem:$0x3F76];
	s0 =	simm.s32 @p0 $0x1  }
0x13: {  	[smem:$0x3F91] =	sst s0;
	s0 =	simm.s32 @!p1 $0x0  }
0x14: {  	s2 =	sld [smem:$0x3F75];
	s0 =	simm.s32 @p1 $0x1  }
0x15: {  	[smem:$0x3F92] =	sst s0;
	s0 =	simm.s32 @!p2 $0x0  }
0x16: {  	s3 =	sld [smem:$0x3FDB];
	s0 =	simm.s32 @p2 $0x1  }
0x17: {  	s4 =	simm.s32 $0x1BF5;
	[smem:$0x3F94] =	sst s0  }
0x18: {  	s0 =	sld [smem:$0x3F77];
	_ =	swait.ge [sflag:s4], $0x0  }
0x19: {  	s7 =	sld [smem:$0x3F78]  }
0x1a: {  	s8 =	sadd.s32 $0xFFFFE003, lr  }
0x1b: {  	s9 =	sadd.s32 $0xFFFFFEF7, lr;
	s5 =	simm.s32 $0xFFFFFFFF;
	p2 =	slt.u32 s8, $0xFFFFF086  }
0x1c: {  	p1 =	slt.u32 s9, $0xF7A;
	s5 =	simm.s32 @!p2 $0x0  }
0x1d: {  	s5 =	simm.s32 @p1 $0x1;
	p0 =	seq.s32 s7, s2  }
0x1e: {  	s7 =	smul.u32 @!p0 $0xF7A, s2;
	p2 =	seq.s32 @!p0 s5, $0x0  }
0x1f: {  	s9 =	smul.u32 $0xF7A, s1;
	s8 =	simm.s32 @!p0 $0x1BF5;
	p2 =	por !p2, p0  }
0x20: {  	[sflag:s8] =	ssyncset.s32 @!p0 $0xFFFFF086;
	s6 =	sadd.s32 @!p0 s3, s7;
	s7 =	simm.s32 @!p0 $0x108  }
0x21: {  	s3 =	sadd.s32 s3, s9;
	s6 =	sadd.s32 @!p0 $0x88, s6;
	s7 =	simm.s32 @p2 $0x1082  }
0x22: {  	[simem:s7], [sflag:s8] =	dma.local @!p0 [hbm:s6], $0xF7A  }
0x23: {  	s9 =	sor.u32 $0xD0000000, s2;
	s6 =	simm.s32 $0x108;
	_ =	swait.ge @!p0 [sflag:s8], $0x0  }
0x24: {  	s3 =	sadd.s32 $0x88, s3;
	s6 =	simm.s32 @!p1 $0x1082;
	[sflag:s4] =	ssyncset.s32 $0xFFFFF086  }
0x25: {  	[simem:s6], [sflag:s4] =	dma.local [hbm:s3], $0xF7A  }
0x26: {  	[smem:$0x3F78] =	sst s1;
	(tag) =	ssettag s2;
	_ =	strace s9  }
0x27: {  	s1 =	sld [smem:$0x3F88]  }
0x28: {  	s2 =	sld [smem:$0x3F89]  }
0x29: {  	s4 =	sld [smem:$0x3F8B]  }
0x2a: {  	p0 =	seq.s32 s5, $0x0;
	s5 =	sld [smem:$0x3F8C]  }
0x2b: {  	s6 =	sld [smem:$0x3F8D]  }
0x2c: {  	s7 =	sld [smem:$0x3F8E]  }
0x2d: {  	s3 =	simm.s32 $0x108;
	s8 =	sld [smem:$0x3F8F]  }
0x2e: {  	s3 =	simm.s32 @!p0 $0x1082;
	s9 =	sld [smem:$0x3F90]  }
0x2f: {  	lr =	sadd.s32 s0, s3;
	s0 =	sld [smem:$0x3F87]  }
0x30: {  	s3 =	sld [smem:$0x3F8A]  }
0x31: {  	[smem:$0x3F93] =	sst s10  }
0x32: {  	s10 =	sld [smem:$0x3F91];
	_ =	sdelay $0x3  }
0x33: {  	p0 =	seq.s32 s10, $0x1;
	s10 =	sld [smem:$0x3F93];
	_ =	sdelay $0x3  }
0x34: {  	[smem:$0x3F93] =	sst s10  }
0x35: {  	s10 =	sld [smem:$0x3F92];
	_ =	sdelay $0x3  }
0x36: {  	p1 =	seq.s32 s10, $0x1;
	s10 =	sld [smem:$0x3F93];
	_ =	sdelay $0x3  }
0x37: {  	[smem:$0x3F93] =	sst s10  }
0x38: {  	s10 =	sld [smem:$0x3F94]  }
0x39: {  	_ = 	snop;
	(pc) =	sbr.ind lr, $3  }
0x3a: {  	_ = 	snop  }
0x3b: {  	_ = 	snop  }
0x3c: {  	p2 =	seq.s32 s10, $0x1;
	s10 =	sld [smem:$0x3F93]  }
0x3d: {  	_ =	shalt  }
0x3e: {  	_ =	shalt  }
0x3f: {  	_ =	shalt  }
0x40: {  	_ =	shalt  }
0x41: {  	_ =	shalt  }
0x42: {  	_ =	shalt  }
0x43: {  	_ =	shalt  }
0x44: {  	_ =	shalt  }
0x45: {  	_ =	shalt  }
0x46: {  	_ =	shalt  }
0x47: {  	_ =	shalt  }
0x48: {  	_ =	shalt  }
0x49: {  	_ =	shalt  }
0x4a: {  	_ =	shalt  }
0x4b: {  	_ =	shalt  }
0x4c: {  	_ =	shalt  }
0x4d: {  	_ =	shalt  }
0x4e: {  	_ =	shalt  }
0x4f: {  	_ =	shalt  }
0x50: {  	_ =	shalt  }
0x51: {  	_ =	shalt  }
0x52: {  	_ =	shalt  }
0x53: {  	_ =	shalt  }
0x54: {  	_ =	shalt  }
0x55: {  	_ =	shalt  }
0x56: {  	_ =	shalt  }
0x57: {  	_ =	shalt  }
0x58: {  	_ =	shalt  }
0x59: {  	_ =	shalt  }
0x5a: {  	_ =	shalt  }
0x5b: {  	_ =	shalt  }
0x5c: {  	_ =	shalt  }
0x5d: {  	_ =	shalt  }
0x5e: {  	_ =	shalt  }
0x5f: {  	_ =	shalt  }
0x60: {  	_ =	shalt  }
0x61: {  	_ =	shalt  }
0x62: {  	_ =	shalt  }
0x63: {  	_ =	shalt  }
0x64: {  	_ =	shalt  }
0x65: {  	_ =	shalt  }
0x66: {  	_ =	shalt  }
0x67: {  	_ =	shalt  }
0x68: {  	_ =	shalt  }
0x69: {  	_ =	shalt  }
0x6a: {  	_ =	shalt  }
0x6b: {  	_ =	shalt  }
0x6c: {  	_ =	shalt  }
0x6d: {  	_ =	shalt  }
0x6e: {  	_ =	shalt  }
0x6f: {  	_ =	shalt  }
0x70: {  	_ =	shalt  }
0x71: {  	_ =	shalt  }
0x72: {  	_ =	shalt  }
0x73: {  	_ =	shalt  }
0x74: {  	_ =	shalt  }
0x75: {  	_ =	shalt  }
0x76: {  	_ =	shalt  }
0x77: {  	_ =	shalt  }
0x78: {  	_ =	shalt  }
0x79: {  	_ =	shalt  }
0x7a: {  	_ =	shalt  }
0x7b: {  	_ =	shalt  }
0x7c: {  	_ =	shalt  }
0x7d: {  	_ =	shalt  }
0x7e: {  	_ =	shalt  }
0x7f: {  	_ =	shalt  }
0x80: {  	_ =	shalt  }
0x81: {  	_ =	shalt  }
0x82: {  	_ =	shalt  }
0x83: {  	_ =	shalt  }
0x84: {  	_ =	shalt  }
0x85: {  	_ =	shalt  }
0x86: {  	_ =	shalt  }
0x87: {  	_ =	shalt  }
.Lfunc_end0:
.L_simem_size_0:
called_computation_lowered:
.L_overlay_start_0:
0x88: {  	s2 =	sld [smem:$0x3FD9]  }
0x89: {  	s3 =	sld [smem:$0x3FFE];
	_ =	sdelay $0x1  }
0x8a: {  	s1 =	srdreg.scid  }
0x8b: {  	s0 =	sand.u32 $0x1, s1  }
0x8c: {  	s17 =	sshll.u32 s0, $0xA;
	s2 =	sadd.s32 s3, s2  }
0x8d: {  	s2 =	sadd.s32 s2, s17  }
0x8e: {  	[smem:$0x3F9F] =	sst s2  }
0x8f: {  	_ = 	snop  }
0x90: {  	s2 =	sld [smem:$0x3FD0];
	(tm) =	ssettm $0x1  }
0x91: {  	s18 =	sld [smem:$0x3FFB];
	_ =	sdelay $0x3  }
0x92: {  	_ =	strace s18  }
0x93: {  	s3 =	sld [smem:$0x3FFC];
	_ =	sdelay $0x3  }
0x94: {  	_ =	strace s3  }
0x95: {  	s3 =	sld [smem:$0x3FFD];
	_ =	sdelay $0x3  }
0x96: {  	_ =	strace s3  }
0x97: {  	_ =	strace $0x8FFFFFFF  }
0x98: {  	s19 =	sld [smem:$0x3FDB];
	_ =	sdelay $0x1  }
0x99: {  	s4 =	simm.s32 $_scs_section_size  }
0x9a: {  	s5 =	simm.s32 $_size__tile_overlayer_lowered;
	s6 =	simm.s32 $_tile_overlayer_lowered  }
0x9b: {  	s22 =	simm.s32 $0x1BFF;
	s21 =	sshll.u32 s6, $0x1;
	s3 =	sadd.s32 s4, s19  }
0x9c: {  	s7 =	simm.s32 $0x0;
	s20 =	sshll.u32 s5, $0x1;
	s5 =	sadd.s32 s21, s3  }
0x9d: {  	[timem:s7], [sflag:s22] =	dma.local [hbm:s5], s20  }
0x9e: {  	_ =	swait.ge [sflag:s22], s20  }
0x9f: {  	s4 =	ssub.s32 $0x0, s20;
	[sflag:s22] =	ssyncset.done $0x0  }
0xa0: {  	[sflag:s22] =	ssyncadd.s32 s4;
	_ =	sdelay $0x1  }
0xa1: {  	s23 =	simm.s32 $0x1B8B  }
0xa2: {  	_ =	swait.ge [sflag:s23], $0x1  }
0xa3: {  	[sflag:s23] =	ssyncset.done $0x0  }
0xa4: {  	s25 =	simm.s32 $0x1B8E;
	s24 =	sld [smem:$0x3FFE];
	[sflag:s23] =	ssyncadd.s32 $0xFFFFFFFF  }
0xa5: {  	s26 =	simm.s32 $execute0_lowered;
	[smem:$0x3FD2] =	sst s25  }
0xa6: {  	s5 =	sshll.u32 s26, $0x1;
	_ =	strace $0x80000046;
	[dreg:$0x1] =	wrdreg $0xFFFFFFFF  }
0xa7: {  	s28 =	simm.s32 $_size_execute0_lowered;
	s3 =	sadd.s32 s3, s5;
	[dreg:$0x0] =	wrdreg $0x0  }
0xa8: {  	s5 =	sshll.u32 s28, $0x1;
	[dreg:$0x2] =	wrdreg s3  }
0xa9: {  	[dreg:$0x3] =	wrdreg s5  }
0xaa: {  	[dreg:$0x4] =	wrdreg $0xC0  }
0xab: {  	_ =	task [dreg:s7], $0x5FFFF  }
0xac: {  	[dreg:$0x1] =	wrdreg $0xFFFFFFFF  }
0xad: {  	[dreg:$0x0] =	wrdreg $0x60  }
0xae: {  	[dreg:$0x2] =	wrdreg s24  }
0xaf: {  	[dreg:$0x3] =	wrdreg s2  }
0xb0: {  	[dreg:$0x4] =	wrdreg $0x9  }
0xb1: {  	_ =	task.clear_ibuf [dreg:s7], $0x5FFFF;
	_ =	strace $0x90000046  }
0xb2: {  	s29 =	simm.s32 $0x9;
	_ =	strace $0x80000048  }
0xb3: {  	_ =	swait.ge [sflag:s29], $0x1  }
0xb4: {  	[sflag:s29] =	ssyncadd.s32 $0xFFFFFFFF  }
0xb5: {  	_ =	strace $0x90000048  }
0xb6: {  	_ =	sfence  }
0xb7: {  	s30 =	sld [smem:$0x0];
	_ =	sdelay $0x2  }
0xb8: {  	s31 =	sshll.u32 s1, $0xD;
	s1 =	sshrl.u32 s1, $0x2  }
0xb9: {  	s3 =	sand.u32 $0x4000, s31;
	s1 =	sadd.s32 s1, s30  }
0xba: {  	s0 =	sor.u32 s3, s0;
	s1 =	sshll.u32 s1, $0x11  }
0xbb: {  	s0 =	sor.u32 s1, s0  }
0xbc: {  	s0 =	sadd.s32 $0x8F2B, s0  }
0xbd: {  	[sflag:s0] =	ssyncadd.remote.s32 $0x1  }
0xbe: {  	_ =	sfence.sel $0xFFFF  }
0xbf: {  	[dreg:$0x0] =	wrdreg $0xFFFFFFFF;
	(pc) =	sbr.abs _section_cstart, $3  }
0xc0: {  	[dreg:$0x1] =	wrdreg $0xFFFFFFFF  }
0xc1: {  	_ =	task.clear_ibuf [dreg:s7], $0x2FFFF;
	_ =	strace $0x9FFFFFFF  }
0xc2: {  	(tm) =	ssettm $0x7FFFFFFF  }
0xc3: {  	_ =	shalt  }
tec
execute0_lowered:
.L_overlay_start_1:
0x0: {  	(tag) =	ssettag $0x1  }
0x1: {  	s4 =	rddreg [dreg:$0x0]  }
0x2: {  	s2 =	rddreg [dreg:$0x1]  }
0x3: {  	s0 =	rddreg [dreg:$0x2];
	s1 =	stileid.u32  }
0x4: {  	s5 =	srdreg.scid;
	s3 =	simm.s32 $0x0;
	s6 =	smul.u32 $0x13880, s1  }
0x5: {  	s10 =	simm.s32 $0x0;
	s5 =	sand.u32 $0x1, s5;
	s8 =	smul.u32 $0x27100, s1  }
0x6: {  	[smem:$0x7FF] =	sst s3;
	s7 =	smul.u32 $0x9C40, s5;
	s9 =	ssub.s32 $0x2, s5  }
0x7: {  	_ =	strace $0x80000047;
	s5 =	smul.u32 $0x13880, s5;
	s31 =	sshrl.u32 s9, $0x1  }
0x8: {  	s8 =	sadd.s32 s8, s4;
	s6 =	sadd.s32 s7, s6;
	s7 =	ssub.s32 s9, s31  }
0x9: {  	s5 =	sadd.s32 s5, s8;
	s8 =	simm.s32 $0xFA0;
	s6 =	sshrl.u32 s6, $0x3  }
0xa: {  	s9 =	simm.s32 $0x1;
	s5 =	sadd.s32 $0x5D400, s5;
	s6 =	sadd.s32 s6, s4  }
0xb: {  	s4 =	smax.u32 s7, $0x1;
	s7 =	simm.s32 $0x2;
	s6 =	sadd.s32 $0x36200, s6  }
.LBB2_1:
0xc: {  	s11 =	sadd.s32 $0x0, s6  }
0xd: {  	[tilespmem:s3], [sflag:$0x2] =	stream.linear.gather [hbm4b:s11+s3], $0xFA0, $0x38;
	[tilespmem:$0x109A0] =	vst v63  }
0xe: {  	_ =	swait.ge [sflag:s7], $0xFA0  }
0xf: {  	[sflag:s7] =	ssyncset.done $0x0  }
0x10: {  	[sflag:s7] =	ssyncadd.s32 $0xFFFFF060  }
0x11: {  	[tilespmem:s8], [sflag:$0x1] =	stream.indirect.gather [hbm4b:s2+s8], $0x10, s3, s8, $0xb8;
	[tilespmem:$0x109A0] =	vst v63  }
0x12: {  	_ =	swait.ge [sflag:s9], $0xFA00  }
0x13: {  	[sflag:s9] =	ssyncset.done $0x0  }
0x14: {  	[sflag:s9] =	ssyncadd.s32 $0xFFFF0600  }
0x15: {  	[hbm4b:s5+s3] =	stream.linear.scatter [tilespmem:s8], [sflag:$0x2], $0xFA00, $0x38;
	[tilespmem:$0x109A0] =	vst v63  }
0x16: {  	s12 =	simm.s32 $0x1F4;
	_ =	swait.ge [sflag:s7], $0xFA00  }
0x17: {  	s13 =	simm.s32 $0x3E8;
	s11 =	sadd.s32 $0x1F40, s5;
	[sflag:s7] =	ssyncset.done $0x0  }
.LBB2_2:
0x18: {  	s14 =	sadd.s32 s12, s6  }
0x19: {  	[sflag:s7] =	ssyncadd.s32 $0xFFFF0600;
	s12 =	smov.u32 s13;
	s15 =	sadd.s32 $0x1F4, s13  }
0x1a: {  	[tilespmem:s3], [sflag:$0x2] =	stream.linear.gather [hbm4b:s14+s3], $0xFA0, $0x38;
	[tilespmem:$0x109A0] =	vst v63  }
0x1b: {  	p0 =	sne.s32 s13, $0x1194;
	_ =	swait.ge [sflag:s7], $0xFA0  }
0x1c: {  	[sflag:s7] =	ssyncset.done $0x0  }
0x1d: {  	[sflag:s7] =	ssyncadd.s32 $0xFFFFF060  }
0x1e: {  	[tilespmem:s8], [sflag:$0x1] =	stream.indirect.gather [hbm4b:s2+s8], $0x10, s3, s8, $0xb8;
	[tilespmem:$0x109A0] =	vst v63  }
0x1f: {  	_ =	swait.ge [sflag:s9], $0xFA00  }
.Ltmp0:
0x20: {  	[sflag:s9] =	ssyncset.done $0x0;
	(pc) =	sbr.rel @p0 .LBB2_2-.Ltmp0, $4  }
0x21: {  	[sflag:s9] =	ssyncadd.s32 $0xFFFF0600  }
0x22: {  	[hbm4b:s11+s3] =	stream.linear.scatter [tilespmem:s8], [sflag:$0x2], $0xFA00, $0x38;
	[tilespmem:$0x109A0] =	vst v63  }
0x23: {  	_ =	swait.ge [sflag:s7], $0xFA00  }
0x24: {  	s13 =	smov.u32 s15;
	s11 =	sadd.s32 $0x1F40, s11;
	[sflag:s7] =	ssyncset.done $0x0  }
0x25: {  	s12 =	sadd.s32 s12, s6;
	[sflag:s7] =	ssyncadd.s32 $0xFFFF0600  }
0x26: {  	[tilespmem:s3], [sflag:$0x2] =	stream.linear.gather [hbm4b:s12+s3], $0xFA0, $0x38;
	[tilespmem:$0x109A0] =	vst v63  }
0x27: {  	_ =	swait.ge [sflag:s7], $0xFA0  }
0x28: {  	[sflag:s7] =	ssyncset.done $0x0  }
0x29: {  	[sflag:s7] =	ssyncadd.s32 $0xFFFFF060  }
0x2a: {  	[tilespmem:s8], [sflag:$0x1] =	stream.indirect.gather [hbm4b:s2+s8], $0x10, s3, s8, $0xb8;
	[tilespmem:$0x109A0] =	vst v63  }
0x2b: {  	s10 =	sadd.s32 $0x1, s10;
	_ =	swait.ge [sflag:s9], $0xFA00  }
0x2c: {  	p0 =	sne.s32 s10, s4;
	[sflag:s9] =	ssyncset.done $0x0  }
.Ltmp1:
0x2d: {  	[sflag:s9] =	ssyncadd.s32 $0xFFFF0600;
	(pc) =	sbr.rel @p0 .LBB2_1-.Ltmp1, $4  }
0x2e: {  	[hbm4b:s11+s3] =	stream.linear.scatter [tilespmem:s8], [sflag:$0x2], $0xFA00, $0x38;
	[tilespmem:$0x109A0] =	vst v63  }
0x2f: {  	_ =	swait.ge [sflag:s7], $0xFA00  }
0x30: {  	[sflag:s7] =	ssyncset.done $0x0  }
0x31: {  	[sflag:s7] =	ssyncadd.s32 $0xFFFF0600  }
0x32: {  	_ =	sfence.sel $0x180000  }
0x33: {  	[bflag:$0x0] =	sbarrier.arrive $0xFFFF  }
0x34: {  	p0 =	sne.s32 s1, $0x0;
	_ =	strace $0x90000047  }
0x35: {  	s0 =	sadd.s32 @!p0 $0x100000, s0;
	[bflag:$0x2] =	sbarrier.arrive $0xFFFF  }
0x36: {  	[sflag:s0] =	ssyncadd.tile.s32 @!p0 $0x1;
	_ =	shalt  }
.Lfunc_end2:
_tile_overlayer_lowered:
.L_overlay_start_2:
0x37: {  	(tag) =	ssettag $0x2  }
0x38: {  	s0 =	rddreg [dreg:$0x0];
	s2 =	stileid.u32  }
0x39: {  	s1 =	rddreg [dreg:$0x1];
	p0 =	sne.s32 s2, $0x0  }
0x3a: {  	s3 =	rddreg [dreg:$0x2];
	[bflag:$0x3] =	sbarrier.arrive $0xFFFF;
	s2 =	simm.s32 @!p0 $0x1C02  }
0x3b: {  	[timem:s3], [sflag:s2] =	dma.local @!p0 [hbm:s0], s1  }
0x3c: {  	s0 =	simm.s32 @!p0 $0x2  }
0x3d: {  	_ =	swait.ge @!p0 [sflag:s0], s1  }
0x3e: {  	s1 =	ssub.s32 @!p0 $0x0, s1;
	[sflag:s0] =	ssyncset.done @!p0 $0x0  }
0x3f: {  	[sflag:s0] =	ssyncadd.s32 @!p0 s1  }
0x40: {  	[bflag:$0x3] =	sbarrier.arrive $0xFFFF  }
0x41: {  	_ =	shalt  }

// kernel: kernel.14.cloned.1.call-start
scs
__scs_entry_jumppad:
0x0: {  	(pc) =	sbr.rel $0x88, $3  }
0x1: {  	(tag) =	ssettag $0x0;
	lr =	simm.s32 $0x1  }
0x2: {  	[smem:$0x3F78] =	sst lr;
	_ =	strace $0xD0000000  }
0x3: {  	_ = 	snop  }
0x4: {  	_ = 	snop  }
0x5: {  	_ = 	snop  }
0x6: {  	_ = 	snop  }
0x7: {  	_ = 	snop  }
__scs_overlays_trampoline_lowered:
0x8: {  	[smem:$0x3F87] =	sst s0  }
0x9: {  	[smem:$0x3F88] =	sst s1  }
0xa: {  	[smem:$0x3F89] =	sst s2  }
0xb: {  	[smem:$0x3F8A] =	sst s3  }
0xc: {  	[smem:$0x3F8B] =	sst s4  }
0xd: {  	[smem:$0x3F8C] =	sst s5  }
0xe: {  	[smem:$0x3F8D] =	sst s6  }
0xf: {  	[smem:$0x3F8E] =	sst s7  }
0x10: {  	[smem:$0x3F8F] =	sst s8  }
0x11: {  	[smem:$0x3F90] =	sst s9;
	s0 =	simm.s32 @!p0 $0x0  }
0x12: {  	s1 =	sld [smem:$0x3F76];
	s0 =	simm.s32 @p0 $0x1  }
0x13: {  	[smem:$0x3F91] =	sst s0;
	s0 =	simm.s32 @!p1 $0x0  }
0x14: {  	s2 =	sld [smem:$0x3F75];
	s0 =	simm.s32 @p1 $0x1  }
0x15: {  	[smem:$0x3F92] =	sst s0;
	s0 =	simm.s32 @!p2 $0x0  }
0x16: {  	s3 =	sld [smem:$0x3FDB];
	s0 =	simm.s32 @p2 $0x1  }
0x17: {  	s4 =	simm.s32 $0x1BF5;
	[smem:$0x3F94] =	sst s0  }
0x18: {  	s0 =	sld [smem:$0x3F77];
	_ =	swait.ge [sflag:s4], $0x0  }
0x19: {  	s7 =	sld [smem:$0x3F78]  }
0x1a: {  	s8 =	sadd.s32 $0xFFFFE003, lr  }
0x1b: {  	s9 =	sadd.s32 $0xFFFFFEF7, lr;
	s5 =	simm.s32 $0xFFFFFFFF;
	p2 =	slt.u32 s8, $0xFFFFF086  }
0x1c: {  	p1 =	slt.u32 s9, $0xF7A;
	s5 =	simm.s32 @!p2 $0x0  }
0x1d: {  	s5 =	simm.s32 @p1 $0x1;
	p0 =	seq.s32 s7, s2  }
0x1e: {  	s7 =	smul.u32 @!p0 $0xF7A, s2;
	p2 =	seq.s32 @!p0 s5, $0x0  }
0x1f: {  	s9 =	smul.u32 $0xF7A, s1;
	s8 =	simm.s32 @!p0 $0x1BF5;
	p2 =	por !p2, p0  }
0x20: {  	[sflag:s8] =	ssyncset.s32 @!p0 $0xFFFFF086;
	s6 =	sadd.s32 @!p0 s3, s7;
	s7 =	simm.s32 @!p0 $0x108  }
0x21: {  	s3 =	sadd.s32 s3, s9;
	s6 =	sadd.s32 @!p0 $0x88, s6;
	s7 =	simm.s32 @p2 $0x1082  }
0x22: {  	[simem:s7], [sflag:s8] =	dma.local @!p0 [hbm:s6], $0xF7A  }
0x23: {  	s9 =	sor.u32 $0xD0000000, s2;
	s6 =	simm.s32 $0x108;
	_ =	swait.ge @!p0 [sflag:s8], $0x0  }
0x24: {  	s3 =	sadd.s32 $0x88, s3;
	s6 =	simm.s32 @!p1 $0x1082;
	[sflag:s4] =	ssyncset.s32 $0xFFFFF086  }
0x25: {  	[simem:s6], [sflag:s4] =	dma.local [hbm:s3], $0xF7A  }
0x26: {  	[smem:$0x3F78] =	sst s1;
	(tag) =	ssettag s2;
	_ =	strace s9  }
0x27: {  	s1 =	sld [smem:$0x3F88]  }
0x28: {  	s2 =	sld [smem:$0x3F89]  }
0x29: {  	s4 =	sld [smem:$0x3F8B]  }
0x2a: {  	p0 =	seq.s32 s5, $0x0;
	s5 =	sld [smem:$0x3F8C]  }
0x2b: {  	s6 =	sld [smem:$0x3F8D]  }
0x2c: {  	s7 =	sld [smem:$0x3F8E]  }
0x2d: {  	s3 =	simm.s32 $0x108;
	s8 =	sld [smem:$0x3F8F]  }
0x2e: {  	s3 =	simm.s32 @!p0 $0x1082;
	s9 =	sld [smem:$0x3F90]  }
0x2f: {  	lr =	sadd.s32 s0, s3;
	s0 =	sld [smem:$0x3F87]  }
0x30: {  	s3 =	sld [smem:$0x3F8A]  }
0x31: {  	[smem:$0x3F93] =	sst s10  }
0x32: {  	s10 =	sld [smem:$0x3F91];
	_ =	sdelay $0x3  }
0x33: {  	p0 =	seq.s32 s10, $0x1;
	s10 =	sld [smem:$0x3F93];
	_ =	sdelay $0x3  }
0x34: {  	[smem:$0x3F93] =	sst s10  }
0x35: {  	s10 =	sld [smem:$0x3F92];
	_ =	sdelay $0x3  }
0x36: {  	p1 =	seq.s32 s10, $0x1;
	s10 =	sld [smem:$0x3F93];
	_ =	sdelay $0x3  }
0x37: {  	[smem:$0x3F93] =	sst s10  }
0x38: {  	s10 =	sld [smem:$0x3F94]  }
0x39: {  	_ = 	snop;
	(pc) =	sbr.ind lr, $3  }
0x3a: {  	_ = 	snop  }
0x3b: {  	_ = 	snop  }
0x3c: {  	p2 =	seq.s32 s10, $0x1;
	s10 =	sld [smem:$0x3F93]  }
0x3d: {  	_ =	shalt  }
0x3e: {  	_ =	shalt  }
0x3f: {  	_ =	shalt  }
0x40: {  	_ =	shalt  }
0x41: {  	_ =	shalt  }
0x42: {  	_ =	shalt  }
0x43: {  	_ =	shalt  }
0x44: {  	_ =	shalt  }
0x45: {  	_ =	shalt  }
0x46: {  	_ =	shalt  }
0x47: {  	_ =	shalt  }
0x48: {  	_ =	shalt  }
0x49: {  	_ =	shalt  }
0x4a: {  	_ =	shalt  }
0x4b: {  	_ =	shalt  }
0x4c: {  	_ =	shalt  }
0x4d: {  	_ =	shalt  }
0x4e: {  	_ =	shalt  }
0x4f: {  	_ =	shalt  }
0x50: {  	_ =	shalt  }
0x51: {  	_ =	shalt  }
0x52: {  	_ =	shalt  }
0x53: {  	_ =	shalt  }
0x54: {  	_ =	shalt  }
0x55: {  	_ =	shalt  }
0x56: {  	_ =	shalt  }
0x57: {  	_ =	shalt  }
0x58: {  	_ =	shalt  }
0x59: {  	_ =	shalt  }
0x5a: {  	_ =	shalt  }
0x5b: {  	_ =	shalt  }
0x5c: {  	_ =	shalt  }
0x5d: {  	_ =	shalt  }
0x5e: {  	_ =	shalt  }
0x5f: {  	_ =	shalt  }
0x60: {  	_ =	shalt  }
0x61: {  	_ =	shalt  }
0x62: {  	_ =	shalt  }
0x63: {  	_ =	shalt  }
0x64: {  	_ =	shalt  }
0x65: {  	_ =	shalt  }
0x66: {  	_ =	shalt  }
0x67: {  	_ =	shalt  }
0x68: {  	_ =	shalt  }
0x69: {  	_ =	shalt  }
0x6a: {  	_ =	shalt  }
0x6b: {  	_ =	shalt  }
0x6c: {  	_ =	shalt  }
0x6d: {  	_ =	shalt  }
0x6e: {  	_ =	shalt  }
0x6f: {  	_ =	shalt  }
0x70: {  	_ =	shalt  }
0x71: {  	_ =	shalt  }
0x72: {  	_ =	shalt  }
0x73: {  	_ =	shalt  }
0x74: {  	_ =	shalt  }
0x75: {  	_ =	shalt  }
0x76: {  	_ =	shalt  }
0x77: {  	_ =	shalt  }
0x78: {  	_ =	shalt  }
0x79: {  	_ =	shalt  }
0x7a: {  	_ =	shalt  }
0x7b: {  	_ =	shalt  }
0x7c: {  	_ =	shalt  }
0x7d: {  	_ =	shalt  }
0x7e: {  	_ =	shalt  }
0x7f: {  	_ =	shalt  }
0x80: {  	_ =	shalt  }
0x81: {  	_ =	shalt  }
0x82: {  	_ =	shalt  }
0x83: {  	_ =	shalt  }
0x84: {  	_ =	shalt  }
0x85: {  	_ =	shalt  }
0x86: {  	_ =	shalt  }
0x87: {  	_ =	shalt  }
.Lfunc_end0:
.L_simem_size_0:
called_computation.1_lowered:
.L_overlay_start_0:
0x88: {  	s2 =	sld [smem:$0x3FD9]  }
0x89: {  	s3 =	sld [smem:$0x3FFE];
	_ =	sdelay $0x1  }
0x8a: {  	s1 =	srdreg.scid  }
0x8b: {  	s0 =	sand.u32 $0x1, s1  }
0x8c: {  	s16 =	sshll.u32 s0, $0xA;
	s2 =	sadd.s32 s3, s2  }
0x8d: {  	s2 =	sadd.s32 s2, s16  }
0x8e: {  	[smem:$0x3F9F] =	sst s2  }
0x8f: {  	_ = 	snop  }
0x90: {  	(tm) =	ssettm $0x1  }
0x91: {  	s17 =	sld [smem:$0x3FFB];
	_ =	sdelay $0x3  }
0x92: {  	_ =	strace s17  }
0x93: {  	s2 =	sld [smem:$0x3FFC];
	_ =	sdelay $0x3  }
0x94: {  	_ =	strace s2  }
0x95: {  	s2 =	sld [smem:$0x3FFD];
	_ =	sdelay $0x3  }
0x96: {  	_ =	strace s2  }
0x97: {  	_ =	strace $0x8FFFFFFF  }
0x98: {  	s18 =	sld [smem:$0x3FDB];
	_ =	sdelay $0x1  }
0x99: {  	s19 =	simm.s32 $_scs_section_size  }
0x9a: {  	s4 =	simm.s32 $_size__tile_overlayer_lowered;
	s5 =	simm.s32 $_tile_overlayer_lowered  }
0x9b: {  	s22 =	simm.s32 $0x1BFF;
	s21 =	sshll.u32 s5, $0x1;
	s2 =	sadd.s32 s19, s18  }
0x9c: {  	s6 =	simm.s32 $0x0;
	s20 =	sshll.u32 s4, $0x1;
	s4 =	sadd.s32 s21, s2  }
0x9d: {  	[timem:s6], [sflag:s22] =	dma.local [hbm:s4], s20  }
0x9e: {  	_ =	swait.ge [sflag:s22], s20  }
0x9f: {  	s3 =	ssub.s32 $0x0, s20;
	[sflag:s22] =	ssyncset.done $0x0  }
0xa0: {  	[sflag:s22] =	ssyncadd.s32 s3;
	_ =	sdelay $0x1  }
0xa1: {  	s23 =	simm.s32 $0x1B8B  }
0xa2: {  	_ =	swait.ge [sflag:s23], $0x1  }
0xa3: {  	[sflag:s23] =	ssyncset.done $0x0  }
0xa4: {  	s25 =	simm.s32 $0x1B8E;
	s24 =	sld [smem:$0x3FFE];
	[sflag:s23] =	ssyncadd.s32 $0xFFFFFFFF  }
0xa5: {  	s26 =	simm.s32 $execute0_lowered;
	[smem:$0x3FD2] =	sst s25  }
0xa6: {  	s4 =	sshll.u32 s26, $0x1;
	_ =	strace $0x80000049;
	[dreg:$0x1] =	wrdreg $0xFFFFFFFF  }
0xa7: {  	s28 =	simm.s32 $_size_execute0_lowered;
	s2 =	sadd.s32 s2, s4;
	[dreg:$0x0] =	wrdreg $0x0  }
0xa8: {  	s4 =	sshll.u32 s28, $0x1;
	[dreg:$0x2] =	wrdreg s2  }
0xa9: {  	[dreg:$0x3] =	wrdreg s4  }
0xaa: {  	[dreg:$0x4] =	wrdreg $0xC0  }
0xab: {  	_ =	task [dreg:s6], $0x5FFFF  }
0xac: {  	[dreg:$0x1] =	wrdreg $0xFFFFFFFF  }
0xad: {  	[dreg:$0x0] =	wrdreg $0x60  }
0xae: {  	[dreg:$0x2] =	wrdreg s24  }
0xaf: {  	[dreg:$0x3] =	wrdreg $0x109A00  }
0xb0: {  	[dreg:$0x4] =	wrdreg $0x9  }
0xb1: {  	_ =	task.clear_ibuf [dreg:s6], $0x5FFFF;
	_ =	strace $0x90000049  }
0xb2: {  	s29 =	simm.s32 $0x9;
	_ =	strace $0x8000004B  }
0xb3: {  	_ =	swait.ge [sflag:s29], $0x1  }
0xb4: {  	[sflag:s29] =	ssyncadd.s32 $0xFFFFFFFF  }
0xb5: {  	_ =	strace $0x9000004B  }
0xb6: {  	_ =	sfence  }
0xb7: {  	s30 =	sld [smem:$0x0];
	_ =	sdelay $0x2  }
0xb8: {  	s31 =	sshll.u32 s1, $0xD;
	s1 =	sshrl.u32 s1, $0x2  }
0xb9: {  	s3 =	sand.u32 $0x4000, s31;
	s1 =	sadd.s32 s1, s30  }
0xba: {  	s0 =	sor.u32 s3, s0;
	s1 =	sshll.u32 s1, $0x11  }
0xbb: {  	s0 =	sor.u32 s1, s0  }
0xbc: {  	s0 =	sadd.s32 $0x8F2B, s0  }
0xbd: {  	[sflag:s0] =	ssyncadd.remote.s32 $0x1  }
0xbe: {  	_ =	sfence.sel $0xFFFF  }
0xbf: {  	[dreg:$0x0] =	wrdreg $0xFFFFFFFF;
	(pc) =	sbr.abs _section_cstart, $3  }
0xc0: {  	[dreg:$0x1] =	wrdreg $0xFFFFFFFF  }
0xc1: {  	_ =	task.clear_ibuf [dreg:s6], $0x2FFFF;
	_ =	strace $0x9FFFFFFF  }
0xc2: {  	(tm) =	ssettm $0x7FFFFFFF  }
0xc3: {  	_ =	shalt  }
tec
execute0_lowered:
.L_overlay_start_1:
0x0: {  	(tag) =	ssettag $0x1  }
0x1: {  	s19 =	rddreg [dreg:$0x0]  }
0x2: {  	s2 =	rddreg [dreg:$0x1]  }
0x3: {  	s0 =	rddreg [dreg:$0x2]  }
0x4: {  	s1 =	stileid.u32;
	s4 =	srdreg.scid;
	s3 =	simm.s32 $0x0  }
0x5: {  	s5 =	smul.u32 $0x2800, s1;
	s20 =	sand.u32 $0x1, s4;
	s26 =	sshll.u32 s1, $0x1  }
0x6: {  	[smem:$0x7FF] =	sst s3;
	s29 =	sshll.u32 s1, $0x6;
	s8 =	sor.u32 s20, s26  }
0x7: {  	_ =	strace $0x8000004A;
	s28 =	sshrl.u32 s5, $0x3;
	s9 =	smul.u32 $0x4E20, s8  }
0x8: {  	s6 =	sadd.s32 s5, s2;
	s5 =	sor.u32 $0x1C01, s29;
	s4 =	sadd.s32 s28, s19  }
0x9: {  	s7 =	sshrl.u32 s6, $0x3;
	s6 =	simm.s32 $0x1;
	s4 =	sadd.s32 $0x5D400, s4  }
0xa: {  	[spmem:s7], [sflag:s5] =	dma.local [hbm:s4], $0x500  }
0xb: {  	_ =	swait.ge [sflag:s6], $0x500  }
0xc: {  	s9 =	sshrl.u32 s9, $0x3;
	[sflag:s6] =	ssyncset.done $0x0  }
0xd: {  	s17 =	sadd.s32 s9, s19;
	[sflag:s6] =	ssyncadd.s32 $0xFFFFFB00  }
0xe: {  	s30 =	smul.u32 $0x9C40, s8;
	s8 =	sadd.s32 $0x49A80, s17;
	[bflag:$0x0] =	sbarrier.arrive $0xFFFF  }
0xf: {  	[tilespmem:s3], [sflag:$0x1] =	stream.linear.gather [hbm4b:s8+s3], $0xFA0, $0x38;
	[tilespmem:$0x131A0] =	vst v63  }
0x10: {  	_ =	swait.ge [sflag:s6], $0xFA0  }
0x11: {  	s18 =	sadd.s32 s30, s19;
	[sflag:s6] =	ssyncset.done $0x0  }
0x12: {  	s10 =	simm.s32 $0xFA0;
	s9 =	sadd.s32 $0x165A800, s18;
	[sflag:s6] =	ssyncadd.s32 $0xFFFFF060  }
0x13: {  	[tilespmem:s10], [sflag:$0x1] =	stream.linear.gather [hbm4b:s9+s3], $0xFA00, $0x38;
	[tilespmem:$0x131A0] =	vst v63  }
0x14: {  	_ =	swait.ge [sflag:s6], $0xFA00  }
0x15: {  	[sflag:s6] =	ssyncset.done $0x0  }
0x16: {  	[sflag:s6] =	ssyncadd.s32 $0xFFFF0600  }
0x17: {  	[spmem:s2] =	stream.indirect.scatter.add.f32 [tilespmem:s10], [sflag:$0x1], $0x10, s3, s10, $0xb8;
	[tilespmem:$0x131A0] =	vst v63  }
0x18: {  	_ =	swait.ge [sflag:s6], $0xFA00  }
0x19: {  	[sflag:s6] =	ssyncset.done $0x0  }
0x1a: {  	s11 =	sadd.s32 $0x49C74, s17;
	[sflag:s6] =	ssyncadd.s32 $0xFFFF0600  }
0x1b: {  	[tilespmem:s3], [sflag:$0x1] =	stream.linear.gather [hbm4b:s11+s3], $0xFA0, $0x38;
	[tilespmem:$0x131A0] =	vst v63  }
0x1c: {  	_ =	swait.ge [sflag:s6], $0xFA0  }
0x1d: {  	[sflag:s6] =	ssyncset.done $0x0  }
0x1e: {  	s12 =	sadd.s32 $0x165C740, s18;
	[sflag:s6] =	ssyncadd.s32 $0xFFFFF060  }
0x1f: {  	[tilespmem:s10], [sflag:$0x1] =	stream.linear.gather [hbm4b:s12+s3], $0xFA00, $0x38;
	[tilespmem:$0x131A0] =	vst v63  }
0x20: {  	_ =	swait.ge [sflag:s6], $0xFA00  }
0x21: {  	[sflag:s6] =	ssyncset.done $0x0  }
0x22: {  	[sflag:s6] =	ssyncadd.s32 $0xFFFF0600  }
0x23: {  	[spmem:s2] =	stream.indirect.scatter.add.f32 [tilespmem:s10], [sflag:$0x1], $0x10, s3, s10, $0xb8;
	[tilespmem:$0x131A0] =	vst v63  }
0x24: {  	_ =	swait.ge [sflag:s6], $0xFA00  }
0x25: {  	[sflag:s6] =	ssyncset.done $0x0  }
0x26: {  	s13 =	sadd.s32 $0x49E68, s17;
	[sflag:s6] =	ssyncadd.s32 $0xFFFF0600  }
0x27: {  	[tilespmem:s3], [sflag:$0x1] =	stream.linear.gather [hbm4b:s13+s3], $0xFA0, $0x38;
	[tilespmem:$0x131A0] =	vst v63  }
0x28: {  	_ =	swait.ge [sflag:s6], $0xFA0  }
0x29: {  	[sflag:s6] =	ssyncset.done $0x0  }
0x2a: {  	s14 =	sadd.s32 $0x165E680, s18;
	[sflag:s6] =	ssyncadd.s32 $0xFFFFF060  }
0x2b: {  	[tilespmem:s10], [sflag:$0x1] =	stream.linear.gather [hbm4b:s14+s3], $0xFA00, $0x38;
	[tilespmem:$0x131A0] =	vst v63  }
0x2c: {  	_ =	swait.ge [sflag:s6], $0xFA00  }
0x2d: {  	[sflag:s6] =	ssyncset.done $0x0  }
0x2e: {  	[sflag:s6] =	ssyncadd.s32 $0xFFFF0600  }
0x2f: {  	[spmem:s2] =	stream.indirect.scatter.add.f32 [tilespmem:s10], [sflag:$0x1], $0x10, s3, s10, $0xb8;
	[tilespmem:$0x131A0] =	vst v63  }
0x30: {  	_ =	swait.ge [sflag:s6], $0xFA00  }
0x31: {  	[sflag:s6] =	ssyncset.done $0x0  }
0x32: {  	s15 =	sadd.s32 $0x4A05C, s17;
	[sflag:s6] =	ssyncadd.s32 $0xFFFF0600  }
0x33: {  	[tilespmem:s3], [sflag:$0x1] =	stream.linear.gather [hbm4b:s15+s3], $0xFA0, $0x38;
	[tilespmem:$0x131A0] =	vst v63  }
0x34: {  	_ =	swait.ge [sflag:s6], $0xFA0  }
0x35: {  	[sflag:s6] =	ssyncset.done $0x0  }
0x36: {  	s16 =	sadd.s32 $0x16605C0, s18;
	[sflag:s6] =	ssyncadd.s32 $0xFFFFF060  }
0x37: {  	[tilespmem:s10], [sflag:$0x1] =	stream.linear.gather [hbm4b:s16+s3], $0xFA00, $0x38;
	[tilespmem:$0x131A0] =	vst v63  }
0x38: {  	_ =	swait.ge [sflag:s6], $0xFA00  }
0x39: {  	[sflag:s6] =	ssyncset.done $0x0  }
0x3a: {  	[sflag:s6] =	ssyncadd.s32 $0xFFFF0600  }
0x3b: {  	[spmem:s2] =	stream.indirect.scatter.add.f32 [tilespmem:s10], [sflag:$0x1], $0x10, s3, s10, $0xb8;
	[tilespmem:$0x131A0] =	vst v63  }
0x3c: {  	_ =	swait.ge [sflag:s6], $0xFA00  }
0x3d: {  	[sflag:s6] =	ssyncset.done $0x0  }
0x3e: {  	s17 =	sadd.s32 $0x4A250, s17;
	[sflag:s6] =	ssyncadd.s32 $0xFFFF0600  }
0x3f: {  	[tilespmem:s3], [sflag:$0x1] =	stream.linear.gather [hbm4b:s17+s3], $0xFA0, $0x38;
	[tilespmem:$0x131A0] =	vst v63  }
0x40: {  	_ =	swait.ge [sflag:s6], $0xFA0  }
0x41: {  	[sflag:s6] =	ssyncset.done $0x0  }
0x42: {  	s18 =	sadd.s32 $0x1662500, s18;
	[sflag:s6] =	ssyncadd.s32 $0xFFFFF060  }
0x43: {  	[tilespmem:s10], [sflag:$0x1] =	stream.linear.gather [hbm4b:s18+s3], $0xFA00, $0x38;
	[tilespmem:$0x131A0] =	vst v63  }
0x44: {  	s22 =	smul.u32 $0x5000, s20;
	s20 =	ssub.s32 $0x2, s20;
	_ =	swait.ge [sflag:s6], $0xFA00  }
0x45: {  	s31 =	sshrl.u32 s20, $0x1;
	[sflag:s6] =	ssyncset.done $0x0  }
0x46: {  	s21 =	smul.u32 $0x500, s1;
	s20 =	ssub.s32 s20, s31;
	[sflag:s6] =	ssyncadd.s32 $0xFFFF0600  }
0x47: {  	[spmem:s2] =	stream.indirect.scatter.add.f32 [tilespmem:s10], [sflag:$0x1], $0x10, s3, s10, $0xb8;
	[tilespmem:$0x131A0] =	vst v63  }
0x48: {  	s20 =	smax.u32 s20, $0x1;
	_ =	swait.ge [sflag:s6], $0xFA00  }
0x49: {  	s21 =	sadd.s32 s21, s22;
	p0 =	sne.s32 s20, $0x1;
	[sflag:s6] =	ssyncset.done $0x0  }
.Ltmp0:
0x4a: {  	s19 =	sadd.s32 s21, s19;
	[sflag:s6] =	ssyncadd.s32 $0xFFFF0600;
	(pc) =	sbr.rel @!p0 .LBB2_2-.Ltmp0, $4  }
0x4b: {  	s19 =	sadd.s32 $0x62400, s19;
	[bflag:$0x0] =	sbarrier.arrive $0xFFFF  }
0x4c: {  	[hbm:s19], [sflag:s5] =	dma.local [spmem:s7], $0x500  }
0x4d: {  	_ =	swait.ge [sflag:s6], $0x500  }
0x4e: {  	s20 =	sadd.s32 $0xFFFFFFFF, s20;
	[sflag:s6] =	ssyncset.done $0x0  }
.LBB2_1:
0x4f: {  	p0 =	sne.s32 s20, $0x1;
	s20 =	sadd.s32 $0xFFFFFFFF, s20;
	[sflag:s6] =	ssyncadd.s32 $0xFFFFFB00  }
0x50: {  	[spmem:s7], [sflag:s5] =	dma.local [hbm:s4], $0x500  }
0x51: {  	_ =	swait.ge [sflag:s6], $0x500  }
0x52: {  	[sflag:s6] =	ssyncset.done $0x0  }
0x53: {  	[sflag:s6] =	ssyncadd.s32 $0xFFFFFB00  }
0x54: {  	[bflag:$0x0] =	sbarrier.arrive $0xFFFF  }
0x55: {  	[tilespmem:s3], [sflag:$0x1] =	stream.linear.gather [hbm4b:s8+s3], $0xFA0, $0x38;
	[tilespmem:$0x131A0] =	vst v63  }
0x56: {  	_ =	swait.ge [sflag:s6], $0xFA0  }
0x57: {  	[sflag:s6] =	ssyncset.done $0x0  }
0x58: {  	[sflag:s6] =	ssyncadd.s32 $0xFFFFF060  }
0x59: {  	[tilespmem:s10], [sflag:$0x1] =	stream.linear.gather [hbm4b:s9+s3], $0xFA00, $0x38;
	[tilespmem:$0x131A0] =	vst v63  }
0x5a: {  	_ =	swait.ge [sflag:s6], $0xFA00  }
0x5b: {  	[sflag:s6] =	ssyncset.done $0x0  }
0x5c: {  	[sflag:s6] =	ssyncadd.s32 $0xFFFF0600  }
0x5d: {  	[spmem:s2] =	stream.indirect.scatter.add.f32 [tilespmem:s10], [sflag:$0x1], $0x10, s3, s10, $0xb8;
	[tilespmem:$0x131A0] =	vst v63  }
0x5e: {  	_ =	swait.ge [sflag:s6], $0xFA00  }
0x5f: {  	[sflag:s6] =	ssyncset.done $0x0  }
0x60: {  	[sflag:s6] =	ssyncadd.s32 $0xFFFF0600  }
0x61: {  	[tilespmem:s3], [sflag:$0x1] =	stream.linear.gather [hbm4b:s11+s3], $0xFA0, $0x38;
	[tilespmem:$0x131A0] =	vst v63  }
0x62: {  	_ =	swait.ge [sflag:s6], $0xFA0  }
0x63: {  	[sflag:s6] =	ssyncset.done $0x0  }
0x64: {  	[sflag:s6] =	ssyncadd.s32 $0xFFFFF060  }
0x65: {  	[tilespmem:s10], [sflag:$0x1] =	stream.linear.gather [hbm4b:s12+s3], $0xFA00, $0x38;
	[tilespmem:$0x131A0] =	vst v63  }
0x66: {  	_ =	swait.ge [sflag:s6], $0xFA00  }
0x67: {  	[sflag:s6] =	ssyncset.done $0x0  }
0x68: {  	[sflag:s6] =	ssyncadd.s32 $0xFFFF0600  }
0x69: {  	[spmem:s2] =	stream.indirect.scatter.add.f32 [tilespmem:s10], [sflag:$0x1], $0x10, s3, s10, $0xb8;
	[tilespmem:$0x131A0] =	vst v63  }
0x6a: {  	_ =	swait.ge [sflag:s6], $0xFA00  }
0x6b: {  	[sflag:s6] =	ssyncset.done $0x0  }
0x6c: {  	[sflag:s6] =	ssyncadd.s32 $0xFFFF0600  }
0x6d: {  	[tilespmem:s3], [sflag:$0x1] =	stream.linear.gather [hbm4b:s13+s3], $0xFA0, $0x38;
	[tilespmem:$0x131A0] =	vst v63  }
0x6e: {  	_ =	swait.ge [sflag:s6], $0xFA0  }
0x6f: {  	[sflag:s6] =	ssyncset.done $0x0  }
0x70: {  	[sflag:s6] =	ssyncadd.s32 $0xFFFFF060  }
0x71: {  	[tilespmem:s10], [sflag:$0x1] =	stream.linear.gather [hbm4b:s14+s3], $0xFA00, $0x38;
	[tilespmem:$0x131A0] =	vst v63  }
0x72: {  	_ =	swait.ge [sflag:s6], $0xFA00  }
0x73: {  	[sflag:s6] =	ssyncset.done $0x0  }
0x74: {  	[sflag:s6] =	ssyncadd.s32 $0xFFFF0600  }
0x75: {  	[spmem:s2] =	stream.indirect.scatter.add.f32 [tilespmem:s10], [sflag:$0x1], $0x10, s3, s10, $0xb8;
	[tilespmem:$0x131A0] =	vst v63  }
0x76: {  	_ =	swait.ge [sflag:s6], $0xFA00  }
0x77: {  	[sflag:s6] =	ssyncset.done $0x0  }
0x78: {  	[sflag:s6] =	ssyncadd.s32 $0xFFFF0600  }
0x79: {  	[tilespmem:s3], [sflag:$0x1] =	stream.linear.gather [hbm4b:s15+s3], $0xFA0, $0x38;
	[tilespmem:$0x131A0] =	vst v63  }
0x7a: {  	_ =	swait.ge [sflag:s6], $0xFA0  }
0x7b: {  	[sflag:s6] =	ssyncset.done $0x0  }
0x7c: {  	[sflag:s6] =	ssyncadd.s32 $0xFFFFF060  }
0x7d: {  	[tilespmem:s10], [sflag:$0x1] =	stream.linear.gather [hbm4b:s16+s3], $0xFA00, $0x38;
	[tilespmem:$0x131A0] =	vst v63  }
0x7e: {  	_ =	swait.ge [sflag:s6], $0xFA00  }
0x7f: {  	[sflag:s6] =	ssyncset.done $0x0  }
0x80: {  	[sflag:s6] =	ssyncadd.s32 $0xFFFF0600  }
0x81: {  	[spmem:s2] =	stream.indirect.scatter.add.f32 [tilespmem:s10], [sflag:$0x1], $0x10, s3, s10, $0xb8;
	[tilespmem:$0x131A0] =	vst v63  }
0x82: {  	_ =	swait.ge [sflag:s6], $0xFA00  }
0x83: {  	[sflag:s6] =	ssyncset.done $0x0  }
0x84: {  	[sflag:s6] =	ssyncadd.s32 $0xFFFF0600  }
0x85: {  	[tilespmem:s3], [sflag:$0x1] =	stream.linear.gather [hbm4b:s17+s3], $0xFA0, $0x38;
	[tilespmem:$0x131A0] =	vst v63  }
0x86: {  	_ =	swait.ge [sflag:s6], $0xFA0  }
0x87: {  	[sflag:s6] =	ssyncset.done $0x0  }
0x88: {  	[sflag:s6] =	ssyncadd.s32 $0xFFFFF060  }
0x89: {  	[tilespmem:s10], [sflag:$0x1] =	stream.linear.gather [hbm4b:s18+s3], $0xFA00, $0x38;
	[tilespmem:$0x131A0] =	vst v63  }
0x8a: {  	_ =	swait.ge [sflag:s6], $0xFA00  }
0x8b: {  	[sflag:s6] =	ssyncset.done $0x0  }
0x8c: {  	[sflag:s6] =	ssyncadd.s32 $0xFFFF0600  }
0x8d: {  	[spmem:s2] =	stream.indirect.scatter.add.f32 [tilespmem:s10], [sflag:$0x1], $0x10, s3, s10, $0xb8;
	[tilespmem:$0x131A0] =	vst v63  }
0x8e: {  	_ =	swait.ge [sflag:s6], $0xFA00  }
0x8f: {  	[sflag:s6] =	ssyncset.done $0x0  }
.Ltmp1:
0x90: {  	[sflag:s6] =	ssyncadd.s32 $0xFFFF0600;
	(pc) =	sbr.rel @p0 .LBB2_1-.Ltmp1, $4  }
0x91: {  	[bflag:$0x0] =	sbarrier.arrive $0xFFFF  }
0x92: {  	[hbm:s19], [sflag:s5] =	dma.local [spmem:s7], $0x500  }
0x93: {  	_ =	swait.ge [sflag:s6], $0x500  }
0x94: {  	[sflag:s6] =	ssyncset.done $0x0  }
.LBB2_2:
0x95: {  	[sflag:s6] =	ssyncadd.s32 $0xFFFFFB00  }
0x96: {  	_ =	sfence.sel $0x180000  }
0x97: {  	[bflag:$0x0] =	sbarrier.arrive $0xFFFF  }
0x98: {  	p0 =	sne.s32 s1, $0x0;
	_ =	strace $0x9000004A  }
0x99: {  	s0 =	sadd.s32 @!p0 $0x100000, s0;
	[bflag:$0x2] =	sbarrier.arrive $0xFFFF  }
0x9a: {  	[sflag:s0] =	ssyncadd.tile.s32 @!p0 $0x1;
	_ =	shalt  }
.Lfunc_end2:
_tile_overlayer_lowered:
.L_overlay_start_2:
0x9b: {  	(tag) =	ssettag $0x2  }
0x9c: {  	s0 =	rddreg [dreg:$0x0];
	s2 =	stileid.u32  }
0x9d: {  	s1 =	rddreg [dreg:$0x1];
	p0 =	sne.s32 s2, $0x0  }
0x9e: {  	s3 =	rddreg [dreg:$0x2];
	[bflag:$0x3] =	sbarrier.arrive $0xFFFF;
	s2 =	simm.s32 @!p0 $0x1C01  }
0x9f: {  	[timem:s3], [sflag:s2] =	dma.local @!p0 [hbm:s0], s1  }
0xa0: {  	s0 =	simm.s32 @!p0 $0x1  }
0xa1: {  	_ =	swait.ge @!p0 [sflag:s0], s1  }
0xa2: {  	s1 =	ssub.s32 @!p0 $0x0, s1;
	[sflag:s0] =	ssyncset.done @!p0 $0x0  }
0xa3: {  	[sflag:s0] =	ssyncadd.s32 @!p0 s1  }
0xa4: {  	[bflag:$0x3] =	sbarrier.arrive $0xFFFF  }
0xa5: {  	_ =	shalt  }

// kernel: kernel.17.cloned.1.call-start
scs
__scs_entry_jumppad:
0x0: {  	(pc) =	sbr.rel $0x88, $3  }
0x1: {  	(tag) =	ssettag $0x0;
	lr =	simm.s32 $0x1  }
0x2: {  	[smem:$0x3F78] =	sst lr;
	_ =	strace $0xD0000000  }
0x3: {  	_ = 	snop  }
0x4: {  	_ = 	snop  }
0x5: {  	_ = 	snop  }
0x6: {  	_ = 	snop  }
0x7: {  	_ = 	snop  }
__scs_overlays_trampoline_lowered:
0x8: {  	[smem:$0x3F87] =	sst s0  }
0x9: {  	[smem:$0x3F88] =	sst s1  }
0xa: {  	[smem:$0x3F89] =	sst s2  }
0xb: {  	[smem:$0x3F8A] =	sst s3  }
0xc: {  	[smem:$0x3F8B] =	sst s4  }
0xd: {  	[smem:$0x3F8C] =	sst s5  }
0xe: {  	[smem:$0x3F8D] =	sst s6  }
0xf: {  	[smem:$0x3F8E] =	sst s7  }
0x10: {  	[smem:$0x3F8F] =	sst s8  }
0x11: {  	[smem:$0x3F90] =	sst s9;
	s0 =	simm.s32 @!p0 $0x0  }
0x12: {  	s1 =	sld [smem:$0x3F76];
	s0 =	simm.s32 @p0 $0x1  }
0x13: {  	[smem:$0x3F91] =	sst s0;
	s0 =	simm.s32 @!p1 $0x0  }
0x14: {  	s2 =	sld [smem:$0x3F75];
	s0 =	simm.s32 @p1 $0x1  }
0x15: {  	[smem:$0x3F92] =	sst s0;
	s0 =	simm.s32 @!p2 $0x0  }
0x16: {  	s3 =	sld [smem:$0x3FDB];
	s0 =	simm.s32 @p2 $0x1  }
0x17: {  	s4 =	simm.s32 $0x1BF5;
	[smem:$0x3F94] =	sst s0  }
0x18: {  	s0 =	sld [smem:$0x3F77];
	_ =	swait.ge [sflag:s4], $0x0  }
0x19: {  	s7 =	sld [smem:$0x3F78]  }
0x1a: {  	s8 =	sadd.s32 $0xFFFFE003, lr  }
0x1b: {  	s9 =	sadd.s32 $0xFFFFFEF7, lr;
	s5 =	simm.s32 $0xFFFFFFFF;
	p2 =	slt.u32 s8, $0xFFFFF086  }
0x1c: {  	p1 =	slt.u32 s9, $0xF7A;
	s5 =	simm.s32 @!p2 $0x0  }
0x1d: {  	s5 =	simm.s32 @p1 $0x1;
	p0 =	seq.s32 s7, s2  }
0x1e: {  	s7 =	smul.u32 @!p0 $0xF7A, s2;
	p2 =	seq.s32 @!p0 s5, $0x0  }
0x1f: {  	s9 =	smul.u32 $0xF7A, s1;
	s8 =	simm.s32 @!p0 $0x1BF5;
	p2 =	por !p2, p0  }
0x20: {  	[sflag:s8] =	ssyncset.s32 @!p0 $0xFFFFF086;
	s6 =	sadd.s32 @!p0 s3, s7;
	s7 =	simm.s32 @!p0 $0x108  }
0x21: {  	s3 =	sadd.s32 s3, s9;
	s6 =	sadd.s32 @!p0 $0x88, s6;
	s7 =	simm.s32 @p2 $0x1082  }
0x22: {  	[simem:s7], [sflag:s8] =	dma.local @!p0 [hbm:s6], $0xF7A  }
0x23: {  	s9 =	sor.u32 $0xD0000000, s2;
	s6 =	simm.s32 $0x108;
	_ =	swait.ge @!p0 [sflag:s8], $0x0  }
0x24: {  	s3 =	sadd.s32 $0x88, s3;
	s6 =	simm.s32 @!p1 $0x1082;
	[sflag:s4] =	ssyncset.s32 $0xFFFFF086  }
0x25: {  	[simem:s6], [sflag:s4] =	dma.local [hbm:s3], $0xF7A  }
0x26: {  	[smem:$0x3F78] =	sst s1;
	(tag) =	ssettag s2;
	_ =	strace s9  }
0x27: {  	s1 =	sld [smem:$0x3F88]  }
0x28: {  	s2 =	sld [smem:$0x3F89]  }
0x29: {  	s4 =	sld [smem:$0x3F8B]  }
0x2a: {  	p0 =	seq.s32 s5, $0x0;
	s5 =	sld [smem:$0x3F8C]  }
0x2b: {  	s6 =	sld [smem:$0x3F8D]  }
0x2c: {  	s7 =	sld [smem:$0x3F8E]  }
0x2d: {  	s3 =	simm.s32 $0x108;
	s8 =	sld [smem:$0x3F8F]  }
0x2e: {  	s3 =	simm.s32 @!p0 $0x1082;
	s9 =	sld [smem:$0x3F90]  }
0x2f: {  	lr =	sadd.s32 s0, s3;
	s0 =	sld [smem:$0x3F87]  }
0x30: {  	s3 =	sld [smem:$0x3F8A]  }
0x31: {  	[smem:$0x3F93] =	sst s10  }
0x32: {  	s10 =	sld [smem:$0x3F91];
	_ =	sdelay $0x3  }
0x33: {  	p0 =	seq.s32 s10, $0x1;
	s10 =	sld [smem:$0x3F93];
	_ =	sdelay $0x3  }
0x34: {  	[smem:$0x3F93] =	sst s10  }
0x35: {  	s10 =	sld [smem:$0x3F92];
	_ =	sdelay $0x3  }
0x36: {  	p1 =	seq.s32 s10, $0x1;
	s10 =	sld [smem:$0x3F93];
	_ =	sdelay $0x3  }
0x37: {  	[smem:$0x3F93] =	sst s10  }
0x38: {  	s10 =	sld [smem:$0x3F94]  }
0x39: {  	_ = 	snop;
	(pc) =	sbr.ind lr, $3  }
0x3a: {  	_ = 	snop  }
0x3b: {  	_ = 	snop  }
0x3c: {  	p2 =	seq.s32 s10, $0x1;
	s10 =	sld [smem:$0x3F93]  }
0x3d: {  	_ =	shalt  }
0x3e: {  	_ =	shalt  }
0x3f: {  	_ =	shalt  }
0x40: {  	_ =	shalt  }
0x41: {  	_ =	shalt  }
0x42: {  	_ =	shalt  }
0x43: {  	_ =	shalt  }
0x44: {  	_ =	shalt  }
0x45: {  	_ =	shalt  }
0x46: {  	_ =	shalt  }
0x47: {  	_ =	shalt  }
0x48: {  	_ =	shalt  }
0x49: {  	_ =	shalt  }
0x4a: {  	_ =	shalt  }
0x4b: {  	_ =	shalt  }
0x4c: {  	_ =	shalt  }
0x4d: {  	_ =	shalt  }
0x4e: {  	_ =	shalt  }
0x4f: {  	_ =	shalt  }
0x50: {  	_ =	shalt  }
0x51: {  	_ =	shalt  }
0x52: {  	_ =	shalt  }
0x53: {  	_ =	shalt  }
0x54: {  	_ =	shalt  }
0x55: {  	_ =	shalt  }
0x56: {  	_ =	shalt  }
0x57: {  	_ =	shalt  }
0x58: {  	_ =	shalt  }
0x59: {  	_ =	shalt  }
0x5a: {  	_ =	shalt  }
0x5b: {  	_ =	shalt  }
0x5c: {  	_ =	shalt  }
0x5d: {  	_ =	shalt  }
0x5e: {  	_ =	shalt  }
0x5f: {  	_ =	shalt  }
0x60: {  	_ =	shalt  }
0x61: {  	_ =	shalt  }
0x62: {  	_ =	shalt  }
0x63: {  	_ =	shalt  }
0x64: {  	_ =	shalt  }
0x65: {  	_ =	shalt  }
0x66: {  	_ =	shalt  }
0x67: {  	_ =	shalt  }
0x68: {  	_ =	shalt  }
0x69: {  	_ =	shalt  }
0x6a: {  	_ =	shalt  }
0x6b: {  	_ =	shalt  }
0x6c: {  	_ =	shalt  }
0x6d: {  	_ =	shalt  }
0x6e: {  	_ =	shalt  }
0x6f: {  	_ =	shalt  }
0x70: {  	_ =	shalt  }
0x71: {  	_ =	shalt  }
0x72: {  	_ =	shalt  }
0x73: {  	_ =	shalt  }
0x74: {  	_ =	shalt  }
0x75: {  	_ =	shalt  }
0x76: {  	_ =	shalt  }
0x77: {  	_ =	shalt  }
0x78: {  	_ =	shalt  }
0x79: {  	_ =	shalt  }
0x7a: {  	_ =	shalt  }
0x7b: {  	_ =	shalt  }
0x7c: {  	_ =	shalt  }
0x7d: {  	_ =	shalt  }
0x7e: {  	_ =	shalt  }
0x7f: {  	_ =	shalt  }
0x80: {  	_ =	shalt  }
0x81: {  	_ =	shalt  }
0x82: {  	_ =	shalt  }
0x83: {  	_ =	shalt  }
0x84: {  	_ =	shalt  }
0x85: {  	_ =	shalt  }
0x86: {  	_ =	shalt  }
0x87: {  	_ =	shalt  }
.Lfunc_end0:
.L_simem_size_0:
called_computation.2_lowered:
.L_overlay_start_0:
0x88: {  	s2 =	sld [smem:$0x3FD9]  }
0x89: {  	s3 =	sld [smem:$0x3FFE];
	_ =	sdelay $0x1  }
0x8a: {  	s1 =	srdreg.scid  }
0x8b: {  	s0 =	sand.u32 $0x1, s1  }
0x8c: {  	s17 =	sshll.u32 s0, $0xA;
	s2 =	sadd.s32 s3, s2  }
0x8d: {  	s2 =	sadd.s32 s2, s17  }
0x8e: {  	[smem:$0x3F9F] =	sst s2  }
0x8f: {  	_ = 	snop  }
0x90: {  	s2 =	sld [smem:$0x3FD0];
	(tm) =	ssettm $0x1  }
0x91: {  	s18 =	sld [smem:$0x3FFB];
	_ =	sdelay $0x3  }
0x92: {  	_ =	strace s18  }
0x93: {  	s3 =	sld [smem:$0x3FFC];
	_ =	sdelay $0x3  }
0x94: {  	_ =	strace s3  }
0x95: {  	s3 =	sld [smem:$0x3FFD];
	_ =	sdelay $0x3  }
0x96: {  	_ =	strace s3  }
0x97: {  	_ =	strace $0x8FFFFFFF  }
0x98: {  	s19 =	sld [smem:$0x3FDB];
	_ =	sdelay $0x1  }
0x99: {  	s4 =	simm.s32 $_scs_section_size  }
0x9a: {  	s5 =	simm.s32 $_size__tile_overlayer_lowered;
	s6 =	simm.s32 $_tile_overlayer_lowered  }
0x9b: {  	s22 =	simm.s32 $0x1BFF;
	s21 =	sshll.u32 s6, $0x1;
	s3 =	sadd.s32 s4, s19  }
0x9c: {  	s7 =	simm.s32 $0x0;
	s20 =	sshll.u32 s5, $0x1;
	s5 =	sadd.s32 s21, s3  }
0x9d: {  	[timem:s7], [sflag:s22] =	dma.local [hbm:s5], s20  }
0x9e: {  	_ =	swait.ge [sflag:s22], s20  }
0x9f: {  	s4 =	ssub.s32 $0x0, s20;
	[sflag:s22] =	ssyncset.done $0x0  }
0xa0: {  	[sflag:s22] =	ssyncadd.s32 s4;
	_ =	sdelay $0x1  }
0xa1: {  	s23 =	simm.s32 $0x1B8B  }
0xa2: {  	_ =	swait.ge [sflag:s23], $0x1  }
0xa3: {  	[sflag:s23] =	ssyncset.done $0x0  }
0xa4: {  	s25 =	simm.s32 $0x1B8E;
	s24 =	sld [smem:$0x3FFE];
	[sflag:s23] =	ssyncadd.s32 $0xFFFFFFFF  }
0xa5: {  	s26 =	simm.s32 $execute0_lowered;
	[smem:$0x3FD2] =	sst s25  }
0xa6: {  	s5 =	sshll.u32 s26, $0x1;
	_ =	strace $0x8000004C;
	[dreg:$0x1] =	wrdreg $0xFFFFFFFF  }
0xa7: {  	s28 =	simm.s32 $_size_execute0_lowered;
	s3 =	sadd.s32 s3, s5;
	[dreg:$0x0] =	wrdreg $0x0  }
0xa8: {  	s5 =	sshll.u32 s28, $0x1;
	[dreg:$0x2] =	wrdreg s3  }
0xa9: {  	[dreg:$0x3] =	wrdreg s5  }
0xaa: {  	[dreg:$0x4] =	wrdreg $0xC0  }
0xab: {  	_ =	task [dreg:s7], $0x5FFFF  }
0xac: {  	[dreg:$0x1] =	wrdreg $0xFFFFFFFF  }
0xad: {  	[dreg:$0x0] =	wrdreg $0x60  }
0xae: {  	[dreg:$0x2] =	wrdreg s2  }
0xaf: {  	[dreg:$0x3] =	wrdreg s24  }
0xb0: {  	[dreg:$0x4] =	wrdreg $0x9  }
0xb1: {  	_ =	task.clear_ibuf [dreg:s7], $0x5FFFF;
	_ =	strace $0x9000004C  }
0xb2: {  	s29 =	simm.s32 $0x9;
	_ =	strace $0x8000004E  }
0xb3: {  	_ =	swait.ge [sflag:s29], $0x1  }
0xb4: {  	[sflag:s29] =	ssyncadd.s32 $0xFFFFFFFF  }
0xb5: {  	_ =	strace $0x9000004E  }
0xb6: {  	_ =	sfence  }
0xb7: {  	s30 =	sld [smem:$0x0];
	_ =	sdelay $0x2  }
0xb8: {  	s31 =	sshll.u32 s1, $0xD;
	s1 =	sshrl.u32 s1, $0x2  }
0xb9: {  	s3 =	sand.u32 $0x4000, s31;
	s1 =	sadd.s32 s1, s30  }
0xba: {  	s0 =	sor.u32 s3, s0;
	s1 =	sshll.u32 s1, $0x11  }
0xbb: {  	s0 =	sor.u32 s1, s0  }
0xbc: {  	s0 =	sadd.s32 $0x8F2B, s0  }
0xbd: {  	[sflag:s0] =	ssyncadd.remote.s32 $0x1  }
0xbe: {  	_ =	sfence.sel $0xFFFF  }
0xbf: {  	[dreg:$0x0] =	wrdreg $0xFFFFFFFF;
	(pc) =	sbr.abs _section_cstart, $3  }
0xc0: {  	[dreg:$0x1] =	wrdreg $0xFFFFFFFF  }
0xc1: {  	_ =	task.clear_ibuf [dreg:s7], $0x2FFFF;
	_ =	strace $0x9FFFFFFF  }
0xc2: {  	(tm) =	ssettm $0x7FFFFFFF  }
0xc3: {  	_ =	shalt  }
tec
execute0_lowered:
.L_overlay_start_1:
0x0: {  	(tag) =	ssettag $0x1  }
0x1: {  	s1 =	srdreg.scid;
	s0 =	stileid.u32  }
0x2: {  	s16 =	sand.u32 $0x1, s1;
	s26 =	sshll.u32 s0, $0x1  }
0x3: {  	s15 =	rddreg [dreg:$0x0];
	s8 =	sor.u32 s16, s26  }
0x4: {  	s9 =	rddreg [dreg:$0x1];
	s17 =	smul.u32 $0x4E20, s8  }
0x5: {  	s2 =	simm.s32 $0x0;
	s1 =	rddreg [dreg:$0x2]  }
0x6: {  	[smem:$0x7FF] =	sst s2;
	s3 =	sshrl.u32 s17, $0x3  }
0x7: {  	_ =	strace $0x8000004D;
	s4 =	sadd.s32 s15, s3;
	s3 =	simm.s32 $0x2  }
0x8: {  	[tilespmem:s2], [sflag:$0x2] =	stream.linear.gather [hbm4b:s4+s2], $0xFA0, $0x38;
	[tilespmem:$0x109A0] =	vst v63  }
0x9: {  	_ =	swait.ge [sflag:s3], $0xFA0  }
0xa: {  	s6 =	simm.s32 $0xFA0;
	[sflag:s3] =	ssyncset.done $0x0  }
0xb: {  	s7 =	simm.s32 $0x1;
	s5 =	sadd.s32 $0xE000, s9;
	[sflag:s3] =	ssyncadd.s32 $0xFFFFF060  }
0xc: {  	[tilespmem:s6], [sflag:$0x1] =	stream.indirect.gather [hbm4b:s5+s6], $0x10, s2, s6, $0xb8;
	[tilespmem:$0x109A0] =	vst v63  }
0xd: {  	s8 =	smul.u32 $0x9C40, s8;
	_ =	swait.ge [sflag:s7], $0xFA00  }
0xe: {  	s18 =	sadd.s32 $0x7FE00, s9;
	[sflag:s7] =	ssyncset.done $0x0  }
0xf: {  	s8 =	sadd.s32 s18, s8;
	[sflag:s7] =	ssyncadd.s32 $0xFFFF0600  }
0x10: {  	[hbm4b:s8+s2] =	stream.linear.scatter [tilespmem:s6], [sflag:$0x2], $0xFA00, $0x38;
	[tilespmem:$0x109A0] =	vst v63  }
0x11: {  	s10 =	sadd.s32 $0xFA0, s17;
	_ =	swait.ge [sflag:s3], $0xFA00  }
0x12: {  	s28 =	sshrl.u32 s10, $0x3;
	[sflag:s3] =	ssyncset.done $0x0  }
0x13: {  	s9 =	sadd.s32 s15, s28;
	[sflag:s3] =	ssyncadd.s32 $0xFFFF0600  }
0x14: {  	[tilespmem:s2], [sflag:$0x2] =	stream.linear.gather [hbm4b:s9+s2], $0xFA0, $0x38;
	[tilespmem:$0x109A0] =	vst v63  }
0x15: {  	_ =	swait.ge [sflag:s3], $0xFA0  }
0x16: {  	[sflag:s3] =	ssyncset.done $0x0  }
0x17: {  	[sflag:s3] =	ssyncadd.s32 $0xFFFFF060  }
0x18: {  	[tilespmem:s6], [sflag:$0x1] =	stream.indirect.gather [hbm4b:s5+s6], $0x10, s2, s6, $0xb8;
	[tilespmem:$0x109A0] =	vst v63  }
0x19: {  	_ =	swait.ge [sflag:s7], $0xFA00  }
0x1a: {  	s10 =	sshll.u32 s10, $0x1;
	[sflag:s7] =	ssyncset.done $0x0  }
0x1b: {  	s10 =	sadd.s32 s18, s10;
	[sflag:s7] =	ssyncadd.s32 $0xFFFF0600  }
0x1c: {  	[hbm4b:s10+s2] =	stream.linear.scatter [tilespmem:s6], [sflag:$0x2], $0xFA00, $0x38;
	[tilespmem:$0x109A0] =	vst v63  }
0x1d: {  	s12 =	sadd.s32 $0x1F40, s17;
	_ =	swait.ge [sflag:s3], $0xFA00  }
0x1e: {  	s11 =	sshrl.u32 s12, $0x3;
	[sflag:s3] =	ssyncset.done $0x0  }
0x1f: {  	s11 =	sadd.s32 s15, s11;
	[sflag:s3] =	ssyncadd.s32 $0xFFFF0600  }
0x20: {  	[tilespmem:s2], [sflag:$0x2] =	stream.linear.gather [hbm4b:s11+s2], $0xFA0, $0x38;
	[tilespmem:$0x109A0] =	vst v63  }
0x21: {  	_ =	swait.ge [sflag:s3], $0xFA0  }
0x22: {  	[sflag:s3] =	ssyncset.done $0x0  }
0x23: {  	[sflag:s3] =	ssyncadd.s32 $0xFFFFF060  }
0x24: {  	[tilespmem:s6], [sflag:$0x1] =	stream.indirect.gather [hbm4b:s5+s6], $0x10, s2, s6, $0xb8;
	[tilespmem:$0x109A0] =	vst v63  }
0x25: {  	_ =	swait.ge [sflag:s7], $0xFA00  }
0x26: {  	s12 =	sshll.u32 s12, $0x1;
	[sflag:s7] =	ssyncset.done $0x0  }
0x27: {  	s12 =	sadd.s32 s18, s12;
	[sflag:s7] =	ssyncadd.s32 $0xFFFF0600  }
0x28: {  	[hbm4b:s12+s2] =	stream.linear.scatter [tilespmem:s6], [sflag:$0x2], $0xFA00, $0x38;
	[tilespmem:$0x109A0] =	vst v63  }
0x29: {  	s14 =	sadd.s32 $0x2EE0, s17;
	_ =	swait.ge [sflag:s3], $0xFA00  }
0x2a: {  	s13 =	sshrl.u32 s14, $0x3;
	[sflag:s3] =	ssyncset.done $0x0  }
0x2b: {  	s13 =	sadd.s32 s15, s13;
	[sflag:s3] =	ssyncadd.s32 $0xFFFF0600  }
0x2c: {  	[tilespmem:s2], [sflag:$0x2] =	stream.linear.gather [hbm4b:s13+s2], $0xFA0, $0x38;
	[tilespmem:$0x109A0] =	vst v63  }
0x2d: {  	_ =	swait.ge [sflag:s3], $0xFA0  }
0x2e: {  	[sflag:s3] =	ssyncset.done $0x0  }
0x2f: {  	[sflag:s3] =	ssyncadd.s32 $0xFFFFF060  }
0x30: {  	[tilespmem:s6], [sflag:$0x1] =	stream.indirect.gather [hbm4b:s5+s6], $0x10, s2, s6, $0xb8;
	[tilespmem:$0x109A0] =	vst v63  }
0x31: {  	_ =	swait.ge [sflag:s7], $0xFA00  }
0x32: {  	s14 =	sshll.u32 s14, $0x1;
	[sflag:s7] =	ssyncset.done $0x0  }
0x33: {  	s14 =	sadd.s32 s18, s14;
	[sflag:s7] =	ssyncadd.s32 $0xFFFF0600  }
0x34: {  	[hbm4b:s14+s2] =	stream.linear.scatter [tilespmem:s6], [sflag:$0x2], $0xFA00, $0x38;
	[tilespmem:$0x109A0] =	vst v63  }
0x35: {  	s17 =	sadd.s32 $0x3E80, s17;
	_ =	swait.ge [sflag:s3], $0xFA00  }
0x36: {  	s19 =	sshrl.u32 s17, $0x3;
	[sflag:s3] =	ssyncset.done $0x0  }
0x37: {  	s16 =	ssub.s32 $0x2, s16;
	s15 =	sadd.s32 s15, s19;
	[sflag:s3] =	ssyncadd.s32 $0xFFFF0600  }
0x38: {  	[tilespmem:s2], [sflag:$0x2] =	stream.linear.gather [hbm4b:s15+s2], $0xFA0, $0x38;
	[tilespmem:$0x109A0] =	vst v63  }
0x39: {  	s29 =	sshrl.u32 s16, $0x1;
	_ =	swait.ge [sflag:s3], $0xFA0  }
0x3a: {  	s19 =	ssub.s32 s16, s29;
	[sflag:s3] =	ssyncset.done $0x0  }
0x3b: {  	s31 =	smax.u32 s19, $0x1;
	[sflag:s3] =	ssyncadd.s32 $0xFFFFF060  }
0x3c: {  	[tilespmem:s6], [sflag:$0x1] =	stream.indirect.gather [hbm4b:s5+s6], $0x10, s2, s6, $0xb8;
	[tilespmem:$0x109A0] =	vst v63  }
0x3d: {  	p0 =	sne.s32 s31, $0x1;
	_ =	swait.ge [sflag:s7], $0xFA00  }
.Ltmp0:
0x3e: {  	s30 =	sshll.u32 s17, $0x1;
	[sflag:s7] =	ssyncset.done $0x0;
	(pc) =	sbr.rel @!p0 .LBB2_2-.Ltmp0, $4  }
0x3f: {  	s16 =	sadd.s32 s18, s30;
	[sflag:s7] =	ssyncadd.s32 $0xFFFF0600  }
0x40: {  	[hbm4b:s16+s2] =	stream.linear.scatter [tilespmem:s6], [sflag:$0x2], $0xFA00, $0x38;
	[tilespmem:$0x109A0] =	vst v63  }
0x41: {  	_ =	swait.ge [sflag:s3], $0xFA00  }
0x42: {  	s17 =	sadd.s32 $0xFFFFFFFF, s31;
	[sflag:s3] =	ssyncset.done $0x0  }
.LBB2_1:
0x43: {  	p0 =	sne.s32 s17, $0x1;
	s17 =	sadd.s32 $0xFFFFFFFF, s17;
	[sflag:s3] =	ssyncadd.s32 $0xFFFF0600  }
0x44: {  	[tilespmem:s2], [sflag:$0x2] =	stream.linear.gather [hbm4b:s4+s2], $0xFA0, $0x38;
	[tilespmem:$0x109A0] =	vst v63  }
0x45: {  	_ =	swait.ge [sflag:s3], $0xFA0  }
0x46: {  	[sflag:s3] =	ssyncset.done $0x0  }
0x47: {  	[sflag:s3] =	ssyncadd.s32 $0xFFFFF060  }
0x48: {  	[tilespmem:s6], [sflag:$0x1] =	stream.indirect.gather [hbm4b:s5+s6], $0x10, s2, s6, $0xb8;
	[tilespmem:$0x109A0] =	vst v63  }
0x49: {  	_ =	swait.ge [sflag:s7], $0xFA00  }
0x4a: {  	[sflag:s7] =	ssyncset.done $0x0  }
0x4b: {  	[sflag:s7] =	ssyncadd.s32 $0xFFFF0600  }
0x4c: {  	[hbm4b:s8+s2] =	stream.linear.scatter [tilespmem:s6], [sflag:$0x2], $0xFA00, $0x38;
	[tilespmem:$0x109A0] =	vst v63  }
0x4d: {  	_ =	swait.ge [sflag:s3], $0xFA00  }
0x4e: {  	[sflag:s3] =	ssyncset.done $0x0  }
0x4f: {  	[sflag:s3] =	ssyncadd.s32 $0xFFFF0600  }
0x50: {  	[tilespmem:s2], [sflag:$0x2] =	stream.linear.gather [hbm4b:s9+s2], $0xFA0, $0x38;
	[tilespmem:$0x109A0] =	vst v63  }
0x51: {  	_ =	swait.ge [sflag:s3], $0xFA0  }
0x52: {  	[sflag:s3] =	ssyncset.done $0x0  }
0x53: {  	[sflag:s3] =	ssyncadd.s32 $0xFFFFF060  }
0x54: {  	[tilespmem:s6], [sflag:$0x1] =	stream.indirect.gather [hbm4b:s5+s6], $0x10, s2, s6, $0xb8;
	[tilespmem:$0x109A0] =	vst v63  }
0x55: {  	_ =	swait.ge [sflag:s7], $0xFA00  }
0x56: {  	[sflag:s7] =	ssyncset.done $0x0  }
0x57: {  	[sflag:s7] =	ssyncadd.s32 $0xFFFF0600  }
0x58: {  	[hbm4b:s10+s2] =	stream.linear.scatter [tilespmem:s6], [sflag:$0x2], $0xFA00, $0x38;
	[tilespmem:$0x109A0] =	vst v63  }
0x59: {  	_ =	swait.ge [sflag:s3], $0xFA00  }
0x5a: {  	[sflag:s3] =	ssyncset.done $0x0  }
0x5b: {  	[sflag:s3] =	ssyncadd.s32 $0xFFFF0600  }
0x5c: {  	[tilespmem:s2], [sflag:$0x2] =	stream.linear.gather [hbm4b:s11+s2], $0xFA0, $0x38;
	[tilespmem:$0x109A0] =	vst v63  }
0x5d: {  	_ =	swait.ge [sflag:s3], $0xFA0  }
0x5e: {  	[sflag:s3] =	ssyncset.done $0x0  }
0x5f: {  	[sflag:s3] =	ssyncadd.s32 $0xFFFFF060  }
0x60: {  	[tilespmem:s6], [sflag:$0x1] =	stream.indirect.gather [hbm4b:s5+s6], $0x10, s2, s6, $0xb8;
	[tilespmem:$0x109A0] =	vst v63  }
0x61: {  	_ =	swait.ge [sflag:s7], $0xFA00  }
0x62: {  	[sflag:s7] =	ssyncset.done $0x0  }
0x63: {  	[sflag:s7] =	ssyncadd.s32 $0xFFFF0600  }
0x64: {  	[hbm4b:s12+s2] =	stream.linear.scatter [tilespmem:s6], [sflag:$0x2], $0xFA00, $0x38;
	[tilespmem:$0x109A0] =	vst v63  }
0x65: {  	_ =	swait.ge [sflag:s3], $0xFA00  }
0x66: {  	[sflag:s3] =	ssyncset.done $0x0  }
0x67: {  	[sflag:s3] =	ssyncadd.s32 $0xFFFF0600  }
0x68: {  	[tilespmem:s2], [sflag:$0x2] =	stream.linear.gather [hbm4b:s13+s2], $0xFA0, $0x38;
	[tilespmem:$0x109A0] =	vst v63  }
0x69: {  	_ =	swait.ge [sflag:s3], $0xFA0  }
0x6a: {  	[sflag:s3] =	ssyncset.done $0x0  }
0x6b: {  	[sflag:s3] =	ssyncadd.s32 $0xFFFFF060  }
0x6c: {  	[tilespmem:s6], [sflag:$0x1] =	stream.indirect.gather [hbm4b:s5+s6], $0x10, s2, s6, $0xb8;
	[tilespmem:$0x109A0] =	vst v63  }
0x6d: {  	_ =	swait.ge [sflag:s7], $0xFA00  }
0x6e: {  	[sflag:s7] =	ssyncset.done $0x0  }
0x6f: {  	[sflag:s7] =	ssyncadd.s32 $0xFFFF0600  }
0x70: {  	[hbm4b:s14+s2] =	stream.linear.scatter [tilespmem:s6], [sflag:$0x2], $0xFA00, $0x38;
	[tilespmem:$0x109A0] =	vst v63  }
0x71: {  	_ =	swait.ge [sflag:s3], $0xFA00  }
0x72: {  	[sflag:s3] =	ssyncset.done $0x0  }
0x73: {  	[sflag:s3] =	ssyncadd.s32 $0xFFFF0600  }
0x74: {  	[tilespmem:s2], [sflag:$0x2] =	stream.linear.gather [hbm4b:s15+s2], $0xFA0, $0x38;
	[tilespmem:$0x109A0] =	vst v63  }
0x75: {  	_ =	swait.ge [sflag:s3], $0xFA0  }
0x76: {  	[sflag:s3] =	ssyncset.done $0x0  }
0x77: {  	[sflag:s3] =	ssyncadd.s32 $0xFFFFF060  }
0x78: {  	[tilespmem:s6], [sflag:$0x1] =	stream.indirect.gather [hbm4b:s5+s6], $0x10, s2, s6, $0xb8;
	[tilespmem:$0x109A0] =	vst v63  }
0x79: {  	_ =	swait.ge [sflag:s7], $0xFA00  }
.Ltmp1:
0x7a: {  	[sflag:s7] =	ssyncset.done $0x0;
	(pc) =	sbr.rel @p0 .LBB2_1-.Ltmp1, $4  }
0x7b: {  	[sflag:s7] =	ssyncadd.s32 $0xFFFF0600  }
0x7c: {  	[hbm4b:s16+s2] =	stream.linear.scatter [tilespmem:s6], [sflag:$0x2], $0xFA00, $0x38;
	[tilespmem:$0x109A0] =	vst v63  }
0x7d: {  	_ =	swait.ge [sflag:s3], $0xFA00  }
0x7e: {  	[sflag:s3] =	ssyncset.done $0x0  }
.LBB2_2:
0x7f: {  	[sflag:s3] =	ssyncadd.s32 $0xFFFF0600  }
0x80: {  	_ =	sfence.sel $0x180000  }
0x81: {  	[bflag:$0x0] =	sbarrier.arrive $0xFFFF  }
0x82: {  	p0 =	sne.s32 s0, $0x0;
	_ =	strace $0x9000004D  }
0x83: {  	s0 =	sadd.s32 @!p0 $0x100000, s1;
	[bflag:$0x2] =	sbarrier.arrive $0xFFFF  }
0x84: {  	[sflag:s0] =	ssyncadd.tile.s32 @!p0 $0x1;
	_ =	shalt  }
.Lfunc_end2:
_tile_overlayer_lowered:
.L_overlay_start_2:
0x85: {  	(tag) =	ssettag $0x2  }
0x86: {  	s0 =	rddreg [dreg:$0x0];
	s2 =	stileid.u32  }
0x87: {  	s1 =	rddreg [dreg:$0x1];
	p0 =	sne.s32 s2, $0x0  }
0x88: {  	s3 =	rddreg [dreg:$0x2];
	[bflag:$0x3] =	sbarrier.arrive $0xFFFF;
	s2 =	simm.s32 @!p0 $0x1C02  }
0x89: {  	[timem:s3], [sflag:s2] =	dma.local @!p0 [hbm:s0], s1  }
0x8a: {  	s0 =	simm.s32 @!p0 $0x2  }
0x8b: {  	_ =	swait.ge @!p0 [sflag:s0], s1  }
0x8c: {  	s1 =	ssub.s32 @!p0 $0x0, s1;
	[sflag:s0] =	ssyncset.done @!p0 $0x0  }
0x8d: {  	[sflag:s0] =	ssyncadd.s32 @!p0 s1  }
0x8e: {  	[bflag:$0x3] =	sbarrier.arrive $0xFFFF  }
0x8f: {  	_ =	shalt  }

// kernel: kernel.20.cloned.1.call-start
scs
__scs_entry_jumppad:
0x0: {  	(pc) =	sbr.rel $0x88, $3  }
0x1: {  	(tag) =	ssettag $0x0;
	lr =	simm.s32 $0x1  }
0x2: {  	[smem:$0x3F78] =	sst lr;
	_ =	strace $0xD0000000  }
0x3: {  	_ = 	snop  }
0x4: {  	_ = 	snop  }
0x5: {  	_ = 	snop  }
0x6: {  	_ = 	snop  }
0x7: {  	_ = 	snop  }
__scs_overlays_trampoline_lowered:
0x8: {  	[smem:$0x3F87] =	sst s0  }
0x9: {  	[smem:$0x3F88] =	sst s1  }
0xa: {  	[smem:$0x3F89] =	sst s2  }
0xb: {  	[smem:$0x3F8A] =	sst s3  }
0xc: {  	[smem:$0x3F8B] =	sst s4  }
0xd: {  	[smem:$0x3F8C] =	sst s5  }
0xe: {  	[smem:$0x3F8D] =	sst s6  }
0xf: {  	[smem:$0x3F8E] =	sst s7  }
0x10: {  	[smem:$0x3F8F] =	sst s8  }
0x11: {  	[smem:$0x3F90] =	sst s9;
	s0 =	simm.s32 @!p0 $0x0  }
0x12: {  	s1 =	sld [smem:$0x3F76];
	s0 =	simm.s32 @p0 $0x1  }
0x13: {  	[smem:$0x3F91] =	sst s0;
	s0 =	simm.s32 @!p1 $0x0  }
0x14: {  	s2 =	sld [smem:$0x3F75];
	s0 =	simm.s32 @p1 $0x1  }
0x15: {  	[smem:$0x3F92] =	sst s0;
	s0 =	simm.s32 @!p2 $0x0  }
0x16: {  	s3 =	sld [smem:$0x3FDB];
	s0 =	simm.s32 @p2 $0x1  }
0x17: {  	s4 =	simm.s32 $0x1BF5;
	[smem:$0x3F94] =	sst s0  }
0x18: {  	s0 =	sld [smem:$0x3F77];
	_ =	swait.ge [sflag:s4], $0x0  }
0x19: {  	s7 =	sld [smem:$0x3F78]  }
0x1a: {  	s8 =	sadd.s32 $0xFFFFE003, lr  }
0x1b: {  	s9 =	sadd.s32 $0xFFFFFEF7, lr;
	s5 =	simm.s32 $0xFFFFFFFF;
	p2 =	slt.u32 s8, $0xFFFFF086  }
0x1c: {  	p1 =	slt.u32 s9, $0xF7A;
	s5 =	simm.s32 @!p2 $0x0  }
0x1d: {  	s5 =	simm.s32 @p1 $0x1;
	p0 =	seq.s32 s7, s2  }
0x1e: {  	s7 =	smul.u32 @!p0 $0xF7A, s2;
	p2 =	seq.s32 @!p0 s5, $0x0  }
0x1f: {  	s9 =	smul.u32 $0xF7A, s1;
	s8 =	simm.s32 @!p0 $0x1BF5;
	p2 =	por !p2, p0  }
0x20: {  	[sflag:s8] =	ssyncset.s32 @!p0 $0xFFFFF086;
	s6 =	sadd.s32 @!p0 s3, s7;
	s7 =	simm.s32 @!p0 $0x108  }
0x21: {  	s3 =	sadd.s32 s3, s9;
	s6 =	sadd.s32 @!p0 $0x88, s6;
	s7 =	simm.s32 @p2 $0x1082  }
0x22: {  	[simem:s7], [sflag:s8] =	dma.local @!p0 [hbm:s6], $0xF7A  }
0x23: {  	s9 =	sor.u32 $0xD0000000, s2;
	s6 =	simm.s32 $0x108;
	_ =	swait.ge @!p0 [sflag:s8], $0x0  }
0x24: {  	s3 =	sadd.s32 $0x88, s3;
	s6 =	simm.s32 @!p1 $0x1082;
	[sflag:s4] =	ssyncset.s32 $0xFFFFF086  }
0x25: {  	[simem:s6], [sflag:s4] =	dma.local [hbm:s3], $0xF7A  }
0x26: {  	[smem:$0x3F78] =	sst s1;
	(tag) =	ssettag s2;
	_ =	strace s9  }
0x27: {  	s1 =	sld [smem:$0x3F88]  }
0x28: {  	s2 =	sld [smem:$0x3F89]  }
0x29: {  	s4 =	sld [smem:$0x3F8B]  }
0x2a: {  	p0 =	seq.s32 s5, $0x0;
	s5 =	sld [smem:$0x3F8C]  }
0x2b: {  	s6 =	sld [smem:$0x3F8D]  }
0x2c: {  	s7 =	sld [smem:$0x3F8E]  }
0x2d: {  	s3 =	simm.s32 $0x108;
	s8 =	sld [smem:$0x3F8F]  }
0x2e: {  	s3 =	simm.s32 @!p0 $0x1082;
	s9 =	sld [smem:$0x3F90]  }
0x2f: {  	lr =	sadd.s32 s0, s3;
	s0 =	sld [smem:$0x3F87]  }
0x30: {  	s3 =	sld [smem:$0x3F8A]  }
0x31: {  	[smem:$0x3F93] =	sst s10  }
0x32: {  	s10 =	sld [smem:$0x3F91];
	_ =	sdelay $0x3  }
0x33: {  	p0 =	seq.s32 s10, $0x1;
	s10 =	sld [smem:$0x3F93];
	_ =	sdelay $0x3  }
0x34: {  	[smem:$0x3F93] =	sst s10  }
0x35: {  	s10 =	sld [smem:$0x3F92];
	_ =	sdelay $0x3  }
0x36: {  	p1 =	seq.s32 s10, $0x1;
	s10 =	sld [smem:$0x3F93];
	_ =	sdelay $0x3  }
0x37: {  	[smem:$0x3F93] =	sst s10  }
0x38: {  	s10 =	sld [smem:$0x3F94]  }
0x39: {  	_ = 	snop;
	(pc) =	sbr.ind lr, $3  }
0x3a: {  	_ = 	snop  }
0x3b: {  	_ = 	snop  }
0x3c: {  	p2 =	seq.s32 s10, $0x1;
	s10 =	sld [smem:$0x3F93]  }
0x3d: {  	_ =	shalt  }
0x3e: {  	_ =	shalt  }
0x3f: {  	_ =	shalt  }
0x40: {  	_ =	shalt  }
0x41: {  	_ =	shalt  }
0x42: {  	_ =	shalt  }
0x43: {  	_ =	shalt  }
0x44: {  	_ =	shalt  }
0x45: {  	_ =	shalt  }
0x46: {  	_ =	shalt  }
0x47: {  	_ =	shalt  }
0x48: {  	_ =	shalt  }
0x49: {  	_ =	shalt  }
0x4a: {  	_ =	shalt  }
0x4b: {  	_ =	shalt  }
0x4c: {  	_ =	shalt  }
0x4d: {  	_ =	shalt  }
0x4e: {  	_ =	shalt  }
0x4f: {  	_ =	shalt  }
0x50: {  	_ =	shalt  }
0x51: {  	_ =	shalt  }
0x52: {  	_ =	shalt  }
0x53: {  	_ =	shalt  }
0x54: {  	_ =	shalt  }
0x55: {  	_ =	shalt  }
0x56: {  	_ =	shalt  }
0x57: {  	_ =	shalt  }
0x58: {  	_ =	shalt  }
0x59: {  	_ =	shalt  }
0x5a: {  	_ =	shalt  }
0x5b: {  	_ =	shalt  }
0x5c: {  	_ =	shalt  }
0x5d: {  	_ =	shalt  }
0x5e: {  	_ =	shalt  }
0x5f: {  	_ =	shalt  }
0x60: {  	_ =	shalt  }
0x61: {  	_ =	shalt  }
0x62: {  	_ =	shalt  }
0x63: {  	_ =	shalt  }
0x64: {  	_ =	shalt  }
0x65: {  	_ =	shalt  }
0x66: {  	_ =	shalt  }
0x67: {  	_ =	shalt  }
0x68: {  	_ =	shalt  }
0x69: {  	_ =	shalt  }
0x6a: {  	_ =	shalt  }
0x6b: {  	_ =	shalt  }
0x6c: {  	_ =	shalt  }
0x6d: {  	_ =	shalt  }
0x6e: {  	_ =	shalt  }
0x6f: {  	_ =	shalt  }
0x70: {  	_ =	shalt  }
0x71: {  	_ =	shalt  }
0x72: {  	_ =	shalt  }
0x73: {  	_ =	shalt  }
0x74: {  	_ =	shalt  }
0x75: {  	_ =	shalt  }
0x76: {  	_ =	shalt  }
0x77: {  	_ =	shalt  }
0x78: {  	_ =	shalt  }
0x79: {  	_ =	shalt  }
0x7a: {  	_ =	shalt  }
0x7b: {  	_ =	shalt  }
0x7c: {  	_ =	shalt  }
0x7d: {  	_ =	shalt  }
0x7e: {  	_ =	shalt  }
0x7f: {  	_ =	shalt  }
0x80: {  	_ =	shalt  }
0x81: {  	_ =	shalt  }
0x82: {  	_ =	shalt  }
0x83: {  	_ =	shalt  }
0x84: {  	_ =	shalt  }
0x85: {  	_ =	shalt  }
0x86: {  	_ =	shalt  }
0x87: {  	_ =	shalt  }
.Lfunc_end0:
.L_simem_size_0:
called_computation.3_lowered:
.L_overlay_start_0:
0x88: {  	s2 =	sld [smem:$0x3FD9]  }
0x89: {  	s3 =	sld [smem:$0x3FFE];
	_ =	sdelay $0x1  }
0x8a: {  	s1 =	srdreg.scid  }
0x8b: {  	s0 =	sand.u32 $0x1, s1  }
0x8c: {  	s17 =	sshll.u32 s0, $0xA;
	s2 =	sadd.s32 s3, s2  }
0x8d: {  	s2 =	sadd.s32 s2, s17  }
0x8e: {  	[smem:$0x3F9F] =	sst s2  }
0x8f: {  	_ = 	snop  }
0x90: {  	(tm) =	ssettm $0x1  }
0x91: {  	s18 =	sld [smem:$0x3FFB];
	_ =	sdelay $0x3  }
0x92: {  	_ =	strace s18  }
0x93: {  	s2 =	sld [smem:$0x3FFC];
	_ =	sdelay $0x3  }
0x94: {  	_ =	strace s2  }
0x95: {  	s2 =	sld [smem:$0x3FFD];
	_ =	sdelay $0x3  }
0x96: {  	_ =	strace s2  }
0x97: {  	_ =	strace $0x8FFFFFFF  }
0x98: {  	s19 =	sld [smem:$0x3FDB];
	_ =	sdelay $0x1  }
0x99: {  	s20 =	simm.s32 $_scs_section_size  }
0x9a: {  	s4 =	simm.s32 $_size__tile_overlayer_lowered;
	s5 =	simm.s32 $_tile_overlayer_lowered  }
0x9b: {  	s6 =	simm.s32 $0x1BFF;
	s21 =	sshll.u32 s5, $0x1;
	s3 =	sadd.s32 s20, s19  }
0x9c: {  	s22 =	simm.s32 $0x0;
	s4 =	sshll.u32 s4, $0x1;
	s5 =	sadd.s32 s21, s3  }
0x9d: {  	[timem:s22], [sflag:s6] =	dma.local [hbm:s5], s4  }
0x9e: {  	_ =	swait.ge [sflag:s6], s4  }
0x9f: {  	s4 =	ssub.s32 $0x0, s4;
	[sflag:s6] =	ssyncset.done $0x0  }
0xa0: {  	[sflag:s6] =	ssyncadd.s32 s4;
	_ =	sdelay $0x1  }
0xa1: {  	s23 =	simm.s32 $0x1B8B  }
0xa2: {  	_ =	swait.ge [sflag:s23], $0x1  }
0xa3: {  	[sflag:s23] =	ssyncset.done $0x0  }
0xa4: {  	[sflag:s23] =	ssyncadd.s32 $0xFFFFFFFF  }
0xa5: {  	s4 =	sld [smem:$0x0]  }
0xa6: {  	s5 =	sand.u32 $0xFFFFFFFE, s1  }
0xa7: {  	p0 =	sne.s32 s1, s5  }
0xa8: {  	s5 =	sshll.u32 @p0 s5, $0xE  }
0xa9: {  	s5 =	sadd.s32 @p0 $0x11B8D, s5;
	s6 =	sshll.u32 @p0 s4, $0x11  }
0xaa: {  	s5 =	sor.u32 @p0 s6, s5  }
0xab: {  	[sflag:s5] =	ssyncadd.remote.s32 @p0 $0x1;
	_ =	sdelay $0x1  }
0xac: {  	s5 =	simm.s32 @p0 $0x1B8D  }
0xad: {  	_ =	swait.eq @p0 [sflag:s5], $0x1  }
0xae: {  	[sflag:s5] =	ssyncadd.s32 @p0 $0xFFFFFFFF  }
0xaf: {  	s6 =	sshll.u32 @!p0 s1, $0xE  }
0xb0: {  	s6 =	sor.u32 @!p0 $0x4000, s6;
	s5 =	simm.s32 @!p0 $0x1B8D  }
0xb1: {  	s4 =	sshll.u32 @!p0 s4, $0x11;
	s6 =	sadd.s32 @!p0 $0x11B8D, s6;
	_ =	swait.eq @!p0 [sflag:s5], $0x1  }
0xb2: {  	s4 =	sor.u32 @!p0 s4, s6;
	[sflag:s5] =	ssyncadd.s32 @!p0 $0xFFFFFFFF  }
0xb3: {  	s25 =	simm.s32 $0x1B8E;
	s24 =	sld [smem:$0x3FFE];
	[sflag:s4] =	ssyncadd.remote.s32 @!p0 $0x1  }
0xb4: {  	s26 =	simm.s32 $execute0_lowered;
	[smem:$0x3FD2] =	sst s25  }
0xb5: {  	s5 =	sshll.u32 s26, $0x1;
	_ =	strace $0x8000004F;
	[dreg:$0x1] =	wrdreg $0xFFFFFFFF  }
0xb6: {  	s28 =	simm.s32 $_size_execute0_lowered;
	s3 =	sadd.s32 s3, s5;
	[dreg:$0x0] =	wrdreg $0x0  }
0xb7: {  	s5 =	sshll.u32 s28, $0x1;
	[dreg:$0x2] =	wrdreg s3  }
0xb8: {  	[dreg:$0x3] =	wrdreg s5  }
0xb9: {  	[dreg:$0x4] =	wrdreg $0xC0  }
0xba: {  	_ =	task [dreg:s22], $0x5FFFF  }
0xbb: {  	[dreg:$0x1] =	wrdreg $0xFFFFFFFF  }
0xbc: {  	[dreg:$0x0] =	wrdreg $0x60  }
0xbd: {  	[dreg:$0x2] =	wrdreg s24  }
0xbe: {  	[dreg:$0x3] =	wrdreg $0xA  }
0xbf: {  	_ =	task.clear_ibuf [dreg:s22], $0x4FFFF;
	_ =	strace $0x9000004F  }
0xc0: {  	s29 =	simm.s32 $0xA;
	_ =	strace $0x80000051  }
0xc1: {  	_ =	swait.ge [sflag:s29], $0x1  }
0xc2: {  	[sflag:s29] =	ssyncadd.s32 $0xFFFFFFFF  }
0xc3: {  	_ =	strace $0x90000051  }
0xc4: {  	_ =	sfence  }
0xc5: {  	s30 =	sld [smem:$0x0];
	_ =	sdelay $0x2  }
0xc6: {  	s31 =	sshll.u32 s1, $0xD;
	s1 =	sshrl.u32 s1, $0x2  }
0xc7: {  	s4 =	sand.u32 $0x4000, s31;
	s1 =	sadd.s32 s1, s30  }
0xc8: {  	s0 =	sor.u32 s4, s0;
	s1 =	sshll.u32 s1, $0x11  }
0xc9: {  	s0 =	sor.u32 s1, s0  }
0xca: {  	s0 =	sadd.s32 $0x8F2B, s0  }
0xcb: {  	[sflag:s0] =	ssyncadd.remote.s32 $0x1  }
0xcc: {  	_ =	sfence.sel $0xFFFF  }
0xcd: {  	[dreg:$0x0] =	wrdreg $0xFFFFFFFF;
	(pc) =	sbr.abs _section_cstart, $3  }
0xce: {  	[dreg:$0x1] =	wrdreg $0xFFFFFFFF  }
0xcf: {  	_ =	task.clear_ibuf [dreg:s22], $0x2FFFF;
	_ =	strace $0x9FFFFFFF  }
0xd0: {  	(tm) =	ssettm $0x7FFFFFFF  }
0xd1: {  	_ =	shalt  }
tec
execute0_lowered:
.L_overlay_start_1:
0x0: {  	(tag) =	ssettag $0x1  }
0x1: {  	s1 =	srdreg.scid;
	s0 =	stileid.u32  }
0x2: {  	s16 =	sand.u32 $0x1, s1;
	s26 =	sshll.u32 s0, $0x1  }
0x3: {  	s8 =	sor.u32 s16, s26  }
0x4: {  	s9 =	rddreg [dreg:$0x0];
	s17 =	smul.u32 $0x4E20, s8  }
0x5: {  	s2 =	simm.s32 $0x0;
	s1 =	rddreg [dreg:$0x1]  }
0x6: {  	[smem:$0x7FF] =	sst s2;
	s15 =	sadd.s32 $0x6C400, s9;
	s3 =	sshrl.u32 s17, $0x3  }
0x7: {  	_ =	strace $0x80000050;
	s4 =	sadd.s32 s15, s3;
	s3 =	simm.s32 $0x2  }
0x8: {  	[tilespmem:s2], [sflag:$0x2] =	stream.linear.gather [hbm4b:s4+s2], $0xFA0, $0x38;
	[tilespmem:$0x109A0] =	vst v63  }
0x9: {  	_ =	swait.ge [sflag:s3], $0xFA0  }
0xa: {  	s6 =	simm.s32 $0xFA0;
	[sflag:s3] =	ssyncset.done $0x0  }
0xb: {  	s7 =	simm.s32 $0x1;
	s5 =	sadd.s32 $0xE000, s9;
	[sflag:s3] =	ssyncadd.s32 $0xFFFFF060  }
0xc: {  	[tilespmem:s6], [sflag:$0x1] =	stream.indirect.gather [hbm4b:s5+s6], $0x10, s2, s6, $0xb8;
	[tilespmem:$0x109A0] =	vst v63  }
0xd: {  	s8 =	smul.u32 $0x9C40, s8;
	_ =	swait.ge [sflag:s7], $0xFA00  }
0xe: {  	s18 =	sadd.s32 $0x2CE600, s9;
	[sflag:s7] =	ssyncset.done $0x0  }
0xf: {  	s8 =	sadd.s32 s18, s8;
	[sflag:s7] =	ssyncadd.s32 $0xFFFF0600  }
0x10: {  	[hbm4b:s8+s2] =	stream.linear.scatter [tilespmem:s6], [sflag:$0x2], $0xFA00, $0x38;
	[tilespmem:$0x109A0] =	vst v63  }
0x11: {  	s10 =	sadd.s32 $0xFA0, s17;
	_ =	swait.ge [sflag:s3], $0xFA00  }
0x12: {  	s28 =	sshrl.u32 s10, $0x3;
	[sflag:s3] =	ssyncset.done $0x0  }
0x13: {  	s9 =	sadd.s32 s15, s28;
	[sflag:s3] =	ssyncadd.s32 $0xFFFF0600  }
0x14: {  	[tilespmem:s2], [sflag:$0x2] =	stream.linear.gather [hbm4b:s9+s2], $0xFA0, $0x38;
	[tilespmem:$0x109A0] =	vst v63  }
0x15: {  	_ =	swait.ge [sflag:s3], $0xFA0  }
0x16: {  	[sflag:s3] =	ssyncset.done $0x0  }
0x17: {  	[sflag:s3] =	ssyncadd.s32 $0xFFFFF060  }
0x18: {  	[tilespmem:s6], [sflag:$0x1] =	stream.indirect.gather [hbm4b:s5+s6], $0x10, s2, s6, $0xb8;
	[tilespmem:$0x109A0] =	vst v63  }
0x19: {  	_ =	swait.ge [sflag:s7], $0xFA00  }
0x1a: {  	s10 =	sshll.u32 s10, $0x1;
	[sflag:s7] =	ssyncset.done $0x0  }
0x1b: {  	s10 =	sadd.s32 s18, s10;
	[sflag:s7] =	ssyncadd.s32 $0xFFFF0600  }
0x1c: {  	[hbm4b:s10+s2] =	stream.linear.scatter [tilespmem:s6], [sflag:$0x2], $0xFA00, $0x38;
	[tilespmem:$0x109A0] =	vst v63  }
0x1d: {  	s12 =	sadd.s32 $0x1F40, s17;
	_ =	swait.ge [sflag:s3], $0xFA00  }
0x1e: {  	s11 =	sshrl.u32 s12, $0x3;
	[sflag:s3] =	ssyncset.done $0x0  }
0x1f: {  	s11 =	sadd.s32 s15, s11;
	[sflag:s3] =	ssyncadd.s32 $0xFFFF0600  }
0x20: {  	[tilespmem:s2], [sflag:$0x2] =	stream.linear.gather [hbm4b:s11+s2], $0xFA0, $0x38;
	[tilespmem:$0x109A0] =	vst v63  }
0x21: {  	_ =	swait.ge [sflag:s3], $0xFA0  }
0x22: {  	[sflag:s3] =	ssyncset.done $0x0  }
0x23: {  	[sflag:s3] =	ssyncadd.s32 $0xFFFFF060  }
0x24: {  	[tilespmem:s6], [sflag:$0x1] =	stream.indirect.gather [hbm4b:s5+s6], $0x10, s2, s6, $0xb8;
	[tilespmem:$0x109A0] =	vst v63  }
0x25: {  	_ =	swait.ge [sflag:s7], $0xFA00  }
0x26: {  	s12 =	sshll.u32 s12, $0x1;
	[sflag:s7] =	ssyncset.done $0x0  }
0x27: {  	s12 =	sadd.s32 s18, s12;
	[sflag:s7] =	ssyncadd.s32 $0xFFFF0600  }
0x28: {  	[hbm4b:s12+s2] =	stream.linear.scatter [tilespmem:s6], [sflag:$0x2], $0xFA00, $0x38;
	[tilespmem:$0x109A0] =	vst v63  }
0x29: {  	s14 =	sadd.s32 $0x2EE0, s17;
	_ =	swait.ge [sflag:s3], $0xFA00  }
0x2a: {  	s13 =	sshrl.u32 s14, $0x3;
	[sflag:s3] =	ssyncset.done $0x0  }
0x2b: {  	s13 =	sadd.s32 s15, s13;
	[sflag:s3] =	ssyncadd.s32 $0xFFFF0600  }
0x2c: {  	[tilespmem:s2], [sflag:$0x2] =	stream.linear.gather [hbm4b:s13+s2], $0xFA0, $0x38;
	[tilespmem:$0x109A0] =	vst v63  }
0x2d: {  	_ =	swait.ge [sflag:s3], $0xFA0  }
0x2e: {  	[sflag:s3] =	ssyncset.done $0x0  }
0x2f: {  	[sflag:s3] =	ssyncadd.s32 $0xFFFFF060  }
0x30: {  	[tilespmem:s6], [sflag:$0x1] =	stream.indirect.gather [hbm4b:s5+s6], $0x10, s2, s6, $0xb8;
	[tilespmem:$0x109A0] =	vst v63  }
0x31: {  	_ =	swait.ge [sflag:s7], $0xFA00  }
0x32: {  	s14 =	sshll.u32 s14, $0x1;
	[sflag:s7] =	ssyncset.done $0x0  }
0x33: {  	s14 =	sadd.s32 s18, s14;
	[sflag:s7] =	ssyncadd.s32 $0xFFFF0600  }
0x34: {  	[hbm4b:s14+s2] =	stream.linear.scatter [tilespmem:s6], [sflag:$0x2], $0xFA00, $0x38;
	[tilespmem:$0x109A0] =	vst v63  }
0x35: {  	s17 =	sadd.s32 $0x3E80, s17;
	_ =	swait.ge [sflag:s3], $0xFA00  }
0x36: {  	s19 =	sshrl.u32 s17, $0x3;
	[sflag:s3] =	ssyncset.done $0x0  }
0x37: {  	s16 =	ssub.s32 $0x2, s16;
	s15 =	sadd.s32 s15, s19;
	[sflag:s3] =	ssyncadd.s32 $0xFFFF0600  }
0x38: {  	[tilespmem:s2], [sflag:$0x2] =	stream.linear.gather [hbm4b:s15+s2], $0xFA0, $0x38;
	[tilespmem:$0x109A0] =	vst v63  }
0x39: {  	s29 =	sshrl.u32 s16, $0x1;
	_ =	swait.ge [sflag:s3], $0xFA0  }
0x3a: {  	s19 =	ssub.s32 s16, s29;
	[sflag:s3] =	ssyncset.done $0x0  }
0x3b: {  	s31 =	smax.u32 s19, $0x1;
	[sflag:s3] =	ssyncadd.s32 $0xFFFFF060  }
0x3c: {  	[tilespmem:s6], [sflag:$0x1] =	stream.indirect.gather [hbm4b:s5+s6], $0x10, s2, s6, $0xb8;
	[tilespmem:$0x109A0] =	vst v63  }
0x3d: {  	p0 =	sne.s32 s31, $0x1;
	_ =	swait.ge [sflag:s7], $0xFA00  }
.Ltmp0:
0x3e: {  	s30 =	sshll.u32 s17, $0x1;
	[sflag:s7] =	ssyncset.done $0x0;
	(pc) =	sbr.rel @!p0 .LBB2_2-.Ltmp0, $4  }
0x3f: {  	s16 =	sadd.s32 s18, s30;
	[sflag:s7] =	ssyncadd.s32 $0xFFFF0600  }
0x40: {  	[hbm4b:s16+s2] =	stream.linear.scatter [tilespmem:s6], [sflag:$0x2], $0xFA00, $0x38;
	[tilespmem:$0x109A0] =	vst v63  }
0x41: {  	_ =	swait.ge [sflag:s3], $0xFA00  }
0x42: {  	s17 =	sadd.s32 $0xFFFFFFFF, s31;
	[sflag:s3] =	ssyncset.done $0x0  }
.LBB2_1:
0x43: {  	p0 =	sne.s32 s17, $0x1;
	s17 =	sadd.s32 $0xFFFFFFFF, s17;
	[sflag:s3] =	ssyncadd.s32 $0xFFFF0600  }
0x44: {  	[tilespmem:s2], [sflag:$0x2] =	stream.linear.gather [hbm4b:s4+s2], $0xFA0, $0x38;
	[tilespmem:$0x109A0] =	vst v63  }
0x45: {  	_ =	swait.ge [sflag:s3], $0xFA0  }
0x46: {  	[sflag:s3] =	ssyncset.done $0x0  }
0x47: {  	[sflag:s3] =	ssyncadd.s32 $0xFFFFF060  }
0x48: {  	[tilespmem:s6], [sflag:$0x1] =	stream.indirect.gather [hbm4b:s5+s6], $0x10, s2, s6, $0xb8;
	[tilespmem:$0x109A0] =	vst v63  }
0x49: {  	_ =	swait.ge [sflag:s7], $0xFA00  }
0x4a: {  	[sflag:s7] =	ssyncset.done $0x0  }
0x4b: {  	[sflag:s7] =	ssyncadd.s32 $0xFFFF0600  }
0x4c: {  	[hbm4b:s8+s2] =	stream.linear.scatter [tilespmem:s6], [sflag:$0x2], $0xFA00, $0x38;
	[tilespmem:$0x109A0] =	vst v63  }
0x4d: {  	_ =	swait.ge [sflag:s3], $0xFA00  }
0x4e: {  	[sflag:s3] =	ssyncset.done $0x0  }
0x4f: {  	[sflag:s3] =	ssyncadd.s32 $0xFFFF0600  }
0x50: {  	[tilespmem:s2], [sflag:$0x2] =	stream.linear.gather [hbm4b:s9+s2], $0xFA0, $0x38;
	[tilespmem:$0x109A0] =	vst v63  }
0x51: {  	_ =	swait.ge [sflag:s3], $0xFA0  }
0x52: {  	[sflag:s3] =	ssyncset.done $0x0  }
0x53: {  	[sflag:s3] =	ssyncadd.s32 $0xFFFFF060  }
0x54: {  	[tilespmem:s6], [sflag:$0x1] =	stream.indirect.gather [hbm4b:s5+s6], $0x10, s2, s6, $0xb8;
	[tilespmem:$0x109A0] =	vst v63  }
0x55: {  	_ =	swait.ge [sflag:s7], $0xFA00  }
0x56: {  	[sflag:s7] =	ssyncset.done $0x0  }
0x57: {  	[sflag:s7] =	ssyncadd.s32 $0xFFFF0600  }
0x58: {  	[hbm4b:s10+s2] =	stream.linear.scatter [tilespmem:s6], [sflag:$0x2], $0xFA00, $0x38;
	[tilespmem:$0x109A0] =	vst v63  }
0x59: {  	_ =	swait.ge [sflag:s3], $0xFA00  }
0x5a: {  	[sflag:s3] =	ssyncset.done $0x0  }
0x5b: {  	[sflag:s3] =	ssyncadd.s32 $0xFFFF0600  }
0x5c: {  	[tilespmem:s2], [sflag:$0x2] =	stream.linear.gather [hbm4b:s11+s2], $0xFA0, $0x38;
	[tilespmem:$0x109A0] =	vst v63  }
0x5d: {  	_ =	swait.ge [sflag:s3], $0xFA0  }
0x5e: {  	[sflag:s3] =	ssyncset.done $0x0  }
0x5f: {  	[sflag:s3] =	ssyncadd.s32 $0xFFFFF060  }
0x60: {  	[tilespmem:s6], [sflag:$0x1] =	stream.indirect.gather [hbm4b:s5+s6], $0x10, s2, s6, $0xb8;
	[tilespmem:$0x109A0] =	vst v63  }
0x61: {  	_ =	swait.ge [sflag:s7], $0xFA00  }
0x62: {  	[sflag:s7] =	ssyncset.done $0x0  }
0x63: {  	[sflag:s7] =	ssyncadd.s32 $0xFFFF0600  }
0x64: {  	[hbm4b:s12+s2] =	stream.linear.scatter [tilespmem:s6], [sflag:$0x2], $0xFA00, $0x38;
	[tilespmem:$0x109A0] =	vst v63  }
0x65: {  	_ =	swait.ge [sflag:s3], $0xFA00  }
0x66: {  	[sflag:s3] =	ssyncset.done $0x0  }
0x67: {  	[sflag:s3] =	ssyncadd.s32 $0xFFFF0600  }
0x68: {  	[tilespmem:s2], [sflag:$0x2] =	stream.linear.gather [hbm4b:s13+s2], $0xFA0, $0x38;
	[tilespmem:$0x109A0] =	vst v63  }
0x69: {  	_ =	swait.ge [sflag:s3], $0xFA0  }
0x6a: {  	[sflag:s3] =	ssyncset.done $0x0  }
0x6b: {  	[sflag:s3] =	ssyncadd.s32 $0xFFFFF060  }
0x6c: {  	[tilespmem:s6], [sflag:$0x1] =	stream.indirect.gather [hbm4b:s5+s6], $0x10, s2, s6, $0xb8;
	[tilespmem:$0x109A0] =	vst v63  }
0x6d: {  	_ =	swait.ge [sflag:s7], $0xFA00  }
0x6e: {  	[sflag:s7] =	ssyncset.done $0x0  }
0x6f: {  	[sflag:s7] =	ssyncadd.s32 $0xFFFF0600  }
0x70: {  	[hbm4b:s14+s2] =	stream.linear.scatter [tilespmem:s6], [sflag:$0x2], $0xFA00, $0x38;
	[tilespmem:$0x109A0] =	vst v63  }
0x71: {  	_ =	swait.ge [sflag:s3], $0xFA00  }
0x72: {  	[sflag:s3] =	ssyncset.done $0x0  }
0x73: {  	[sflag:s3] =	ssyncadd.s32 $0xFFFF0600  }
0x74: {  	[tilespmem:s2], [sflag:$0x2] =	stream.linear.gather [hbm4b:s15+s2], $0xFA0, $0x38;
	[tilespmem:$0x109A0] =	vst v63  }
0x75: {  	_ =	swait.ge [sflag:s3], $0xFA0  }
0x76: {  	[sflag:s3] =	ssyncset.done $0x0  }
0x77: {  	[sflag:s3] =	ssyncadd.s32 $0xFFFFF060  }
0x78: {  	[tilespmem:s6], [sflag:$0x1] =	stream.indirect.gather [hbm4b:s5+s6], $0x10, s2, s6, $0xb8;
	[tilespmem:$0x109A0] =	vst v63  }
0x79: {  	_ =	swait.ge [sflag:s7], $0xFA00  }
.Ltmp1:
0x7a: {  	[sflag:s7] =	ssyncset.done $0x0;
	(pc) =	sbr.rel @p0 .LBB2_1-.Ltmp1, $4  }
0x7b: {  	[sflag:s7] =	ssyncadd.s32 $0xFFFF0600  }
0x7c: {  	[hbm4b:s16+s2] =	stream.linear.scatter [tilespmem:s6], [sflag:$0x2], $0xFA00, $0x38;
	[tilespmem:$0x109A0] =	vst v63  }
0x7d: {  	_ =	swait.ge [sflag:s3], $0xFA00  }
0x7e: {  	[sflag:s3] =	ssyncset.done $0x0  }
.LBB2_2:
0x7f: {  	[sflag:s3] =	ssyncadd.s32 $0xFFFF0600  }
0x80: {  	_ =	sfence.sel $0x180000  }
0x81: {  	[bflag:$0x0] =	sbarrier.arrive $0xFFFF  }
0x82: {  	p0 =	sne.s32 s0, $0x0;
	_ =	strace $0x90000050  }
0x83: {  	s0 =	sadd.s32 @!p0 $0x100000, s1;
	[bflag:$0x2] =	sbarrier.arrive $0xFFFF  }
0x84: {  	[sflag:s0] =	ssyncadd.tile.s32 @!p0 $0x1;
	_ =	shalt  }
.Lfunc_end2:
_tile_overlayer_lowered:
.L_overlay_start_2:
0x85: {  	(tag) =	ssettag $0x2  }
0x86: {  	s0 =	rddreg [dreg:$0x0];
	s2 =	stileid.u32  }
0x87: {  	s1 =	rddreg [dreg:$0x1];
	p0 =	sne.s32 s2, $0x0  }
0x88: {  	s3 =	rddreg [dreg:$0x2];
	[bflag:$0x3] =	sbarrier.arrive $0xFFFF;
	s2 =	simm.s32 @!p0 $0x1C02  }
0x89: {  	[timem:s3], [sflag:s2] =	dma.local @!p0 [hbm:s0], s1  }
0x8a: {  	s0 =	simm.s32 @!p0 $0x2  }
0x8b: {  	_ =	swait.ge @!p0 [sflag:s0], s1  }
0x8c: {  	s1 =	ssub.s32 @!p0 $0x0, s1;
	[sflag:s0] =	ssyncset.done @!p0 $0x0  }
0x8d: {  	[sflag:s0] =	ssyncadd.s32 @!p0 s1  }
0x8e: {  	[bflag:$0x3] =	sbarrier.arrive $0xFFFF  }
0x8f: {  	_ =	shalt  }

</sc_bundles>
